<compile_context>
chip_gen: v7x
topology: tpu7x:2x2x1
jax: 0.10.2.dev20260603
libtpu: 0.0.44.dev20260713+nightly
codegen_flags: <defaults>
</compile_context>

<pallas_src>
import functools

import jax
import jax.numpy as jnp
from jax import lax
from jax.experimental import pallas as pl
from jax.experimental.pallas import tpu as pltpu
from jax.experimental.pallas import tpu_sc as plsc

B, L, F, E = 4096, 200, 20, 64
G0, G1 = 104, 96
NC, NS = 2, 16
NW = NC * NS
BW = B // NW
R = 8

_PACK_BB = 512


def _pack_body(sal_ref, idx_ref):
    v = sal_ref[...]
    w = (jnp.int32(1) << jnp.arange(F, dtype=jnp.int32))[:, None, None]
    s = jnp.sum(v * w, axis=0)
    s0 = jnp.pad(s[:G0], ((0, 128 - G0), (0, 0)))
    s1 = jnp.pad(s[G0:], ((0, 128 - G1), (0, 0)))
    t0 = jnp.transpose(s0, (1, 0))
    t1 = jnp.transpose(s1, (1, 0))
    idx_ref[...] = jnp.stack([t0, t1], axis=0)


def _pack_indices(salience_values):
    sal_t = jnp.transpose(salience_values, (2, 1, 0))
    return pl.pallas_call(
        _pack_body,
        grid=(B // _PACK_BB,),
        in_specs=[pl.BlockSpec((F, L, _PACK_BB), lambda i: (0, 0, i))],
        out_specs=pl.BlockSpec((2, _PACK_BB, 128), lambda i: (0, i, 0)),
        out_shape=jax.ShapeDtypeStruct((2, B, 128), jnp.int32),
    )(sal_t)


@functools.cache
def _make_gather_kernel():
    mesh = plsc.VectorSubcoreMesh(core_axis_name="c", subcore_axis_name="s")

    @functools.partial(
        pl.kernel,
        mesh=mesh,
        out_type=jax.ShapeDtypeStruct((B, L, E), jnp.float32),
        scratch_types=[
            pltpu.VMEM((2 * BW, 128), jnp.int32),
            pltpu.VMEM((R, G0, E), jnp.float32),
            pltpu.SemaphoreType.DMA,
            pltpu.SemaphoreType.DMA,
        ],
        compiler_params=pltpu.CompilerParams(use_tc_tiling_on_sc=False),
    )
    def _gather_kernel(idx_hbm, table_hbm, out_hbm, idx_v, rows_v, gsem, osem):
        wid = lax.axis_index("s") * NC + lax.axis_index("c")
        b0 = wid * BW
        pltpu.sync_copy(idx_hbm.at[0, pl.ds(b0, BW)], idx_v.at[pl.ds(0, BW)])
        pltpu.sync_copy(idx_hbm.at[1, pl.ds(b0, BW)], idx_v.at[pl.ds(BW, BW)])

        def make_body(gl, l0, trow):
            def body(i, _):
                r0 = i * R
                gets = []
                for k in range(R):
                    gets.append(
                        pltpu.async_copy(
                            table_hbm.at[idx_v.at[trow + r0 + k, pl.ds(0, gl)]],
                            rows_v.at[k, pl.ds(0, gl)],
                            gsem,
                        )
                    )
                puts = []
                for k in range(R):
                    gets[k].wait()
                    puts.append(
                        pltpu.async_copy(
                            rows_v.at[k, pl.ds(0, gl)],
                            out_hbm.at[b0 + r0 + k, pl.ds(l0, gl)],
                            osem,
                        )
                    )
                for p in puts:
                    p.wait()
                return ()

            return body

        lax.fori_loop(0, BW // R, make_body(G0, 0, 0), (), unroll=False)
        lax.fori_loop(0, BW // R, make_body(G1, G0, BW), (), unroll=False)

    return _gather_kernel


def kernel(salience_values, table):
    idx = _pack_indices(salience_values)
    return _make_gather_kernel()(idx, table)

# --- scband reference (transcript-rebuilt; emitter-appended) ---
"""Pipeline reference for scband-salience-embedder-vector-14216341749839 (READ-ONLY COPY).

The authoritative reference and input builder live on the scoring server;
editing this copy changes nothing except your own understanding.
"""

import jax, jax.numpy as jnp
import numpy as np

B, L, F, E = 4096, 200, 20, 64
V = 2 ** F


def setup_inputs(seed: int = 0) -> dict:
    key = jax.random.key(seed)
    k1, k2 = jax.random.split(key)
    # binary salience features in {0, 1}
    salience_values = jax.random.randint(k1, (B, L, F), 0, 2, dtype=jnp.int32)
    # learned embedding table of size 2**feature_size x embedding_size
    table = jax.random.normal(k2, (V, E), dtype=jnp.float32)
    return {"salience_values": salience_values, "table": table}


def reference(salience_values, table):
    # Faithful translation of SalienceEmbedderVector.forward:
    # embs[:, i, 0] = sum_j 2**j * salience_values[:, i, j]
    F_ = salience_values.shape[2]
    weights = 2 ** jnp.arange(F_, dtype=salience_values.dtype)  # [F]
    idx = jnp.sum(salience_values * weights, axis=2)  # [B, L], values in [0, 2**F)
    # Embedding lookup of embs [B, L, 1] followed by squeeze -> [B, L, E]
    out = jnp.take(table, idx, axis=0)  # [B, L, E]
    return out

if __name__ == "__main__":
    import jax
    _d = setup_inputs()
    print(jax.jit(kernel)(*tuple(_d.values())))

</pallas_src>

<mosaic_0001>
#map = affine_map<(d0, d1) -> (0, 0, 0)>
#map1 = affine_map<(d0, d1) -> (0, 0)>
module attributes {stable_mosaic.version = 14 : i64} {
  func.func @_gather_kernel(%arg0: i32, %arg1: i32, %arg2: memref<2x4096x128xi32, #tpu.memory_space<hbm>>, %arg3: memref<1048576x64xf32, #tpu.memory_space<hbm>>, %arg4: memref<4096x200x64xf32, #tpu.memory_space<hbm>>, %arg5: memref<256x128xi32, #tpu.memory_space<vmem>>, %arg6: memref<8x104x64xf32, #tpu.memory_space<vmem>>, %arg7: memref<!tpu.dma_semaphore, #tpu.memory_space<semaphore_mem>>, %arg8: memref<!tpu.dma_semaphore, #tpu.memory_space<semaphore_mem>>) attributes {dimension_semantics = [#tpu.dimension_semantics<core_parallel>, #tpu.dimension_semantics<subcore_parallel>], iteration_bounds = array<i64: 2, 16>, scalar_prefetch = 0 : i64, scratch_operands = 4 : i64, tpu.core_type = #tpu.core_type<sc_vector_subcore>, window_params = [{transform_indices = #map}, {transform_indices = #map1}, {transform_indices = #map}]} {
    %mul3A = arith.constant 2 : i32
    %mul3A_0 = arith.muli %arg1, %mul3A : i32
    %add3A = arith.addi %mul3A_0, %arg0 : i32
    %mul3A_1 = arith.constant 128 : i32
    %mul3A_2 = arith.muli %add3A, %mul3A_1 : i32
    %run_scoped3A = arith.constant 0 : i32
    "tpu.region"() ({
      %run_scoped3A_13 = tpu.sem_alloc : memref<!tpu.dma_semaphore, #tpu.memory_space<semaphore_mem>>
      %dma_start3A = arith.constant 0 : i32
      %dma_start3A_14 = arith.constant 0 : i32
      %dma_start3A_15 = tpu.memref_slice %arg5[%dma_start3A, %dma_start3A_14] : memref<256x128xi32, #tpu.memory_space<vmem>> -> memref<128x128xi32, #tpu.memory_space<vmem>>
      %dma_start3A_16 = arith.constant 0 : i32
      %dma_start3A_17 = tpu.memref_slice %arg2[%run_scoped3A, %mul3A_2, %dma_start3A_16] : memref<2x4096x128xi32, #tpu.memory_space<hbm>> -> memref<1x128x128xi32, #tpu.memory_space<hbm>>
      %dma_start3A_18 = tpu.memref_squeeze %dma_start3A_17 : memref<1x128x128xi32, #tpu.memory_space<hbm>> -> memref<128x128xi32, #tpu.memory_space<hbm>>
      %dma_start3A_19 = arith.constant 0 : i32
      %dma_start3A_20 = arith.constant 0 : i32
      %dma_start3A_21 = tpu.memref_slice %arg5[%dma_start3A_19, %dma_start3A_20] : memref<256x128xi32, #tpu.memory_space<vmem>> -> memref<128x128xi32, #tpu.memory_space<vmem>>
      %dma_start3A_22 = arith.constant 0 : i32
      %dma_start3A_23 = tpu.memref_slice %arg2[%run_scoped3A, %mul3A_2, %dma_start3A_22] : memref<2x4096x128xi32, #tpu.memory_space<hbm>> -> memref<1x128x128xi32, #tpu.memory_space<hbm>>
      %dma_start3A_24 = tpu.memref_squeeze %dma_start3A_23 : memref<1x128x128xi32, #tpu.memory_space<hbm>> -> memref<128x128xi32, #tpu.memory_space<hbm>>
      tpu.enqueue_dma source(%dma_start3A_24 : memref<128x128xi32, #tpu.memory_space<hbm>>) target(%dma_start3A_21 : memref<128x128xi32, #tpu.memory_space<vmem>>) target_semaphore(%run_scoped3A_13 : memref<!tpu.dma_semaphore, #tpu.memory_space<semaphore_mem>>)
      %dma_wait3A = arith.constant 0 : i32
      %dma_wait3A_25 = arith.constant 0 : i32
      %dma_wait3A_26 = tpu.memref_slice %arg5[%dma_wait3A, %dma_wait3A_25] : memref<256x128xi32, #tpu.memory_space<vmem>> -> memref<128x128xi32, #tpu.memory_space<vmem>>
      %dma_wait3A_27 = arith.constant 0 : i32
      %dma_wait3A_28 = tpu.memref_slice %arg2[%run_scoped3A, %mul3A_2, %dma_wait3A_27] : memref<2x4096x128xi32, #tpu.memory_space<hbm>> -> memref<1x128x128xi32, #tpu.memory_space<hbm>>
      %dma_wait3A_29 = tpu.memref_squeeze %dma_wait3A_28 : memref<1x128x128xi32, #tpu.memory_space<hbm>> -> memref<128x128xi32, #tpu.memory_space<hbm>>
      %dma_wait3A_30 = arith.constant 0 : i32
      %dma_wait3A_31 = arith.constant 0 : i32
      %dma_wait3A_32 = tpu.memref_slice %arg5[%dma_wait3A_30, %dma_wait3A_31] : memref<256x128xi32, #tpu.memory_space<vmem>> -> memref<128x128xi32, #tpu.memory_space<vmem>>
      %dma_wait3A_33 = arith.constant 0 : i32
      %dma_wait3A_34 = tpu.memref_slice %arg2[%run_scoped3A, %mul3A_2, %dma_wait3A_33] : memref<2x4096x128xi32, #tpu.memory_space<hbm>> -> memref<1x128x128xi32, #tpu.memory_space<hbm>>
      %dma_wait3A_35 = tpu.memref_squeeze %dma_wait3A_34 : memref<1x128x128xi32, #tpu.memory_space<hbm>> -> memref<128x128xi32, #tpu.memory_space<hbm>>
      tpu.wait_dma2 semaphore(%run_scoped3A_13 : memref<!tpu.dma_semaphore, #tpu.memory_space<semaphore_mem>>) src(%dma_wait3A_35 : memref<128x128xi32, #tpu.memory_space<hbm>>) dst(%dma_wait3A_32 : memref<128x128xi32, #tpu.memory_space<vmem>>)
      tpu.yield
    }) : () -> ()
    %run_scoped3A_3 = arith.constant 1 : i32
    "tpu.region"() ({
      %run_scoped3A_13 = tpu.sem_alloc : memref<!tpu.dma_semaphore, #tpu.memory_space<semaphore_mem>>
      %dma_start3A = arith.constant 128 : i32
      %dma_start3A_14 = arith.constant 0 : i32
      %dma_start3A_15 = tpu.memref_slice %arg5[%dma_start3A, %dma_start3A_14] : memref<256x128xi32, #tpu.memory_space<vmem>> -> memref<128x128xi32, #tpu.memory_space<vmem>>
      %dma_start3A_16 = arith.constant 0 : i32
      %dma_start3A_17 = tpu.memref_slice %arg2[%run_scoped3A_3, %mul3A_2, %dma_start3A_16] : memref<2x4096x128xi32, #tpu.memory_space<hbm>> -> memref<1x128x128xi32, #tpu.memory_space<hbm>>
      %dma_start3A_18 = tpu.memref_squeeze %dma_start3A_17 : memref<1x128x128xi32, #tpu.memory_space<hbm>> -> memref<128x128xi32, #tpu.memory_space<hbm>>
      %dma_start3A_19 = arith.constant 128 : i32
      %dma_start3A_20 = arith.constant 0 : i32
      %dma_start3A_21 = tpu.memref_slice %arg5[%dma_start3A_19, %dma_start3A_20] : memref<256x128xi32, #tpu.memory_space<vmem>> -> memref<128x128xi32, #tpu.memory_space<vmem>>
      %dma_start3A_22 = arith.constant 0 : i32
      %dma_start3A_23 = tpu.memref_slice %arg2[%run_scoped3A_3, %mul3A_2, %dma_start3A_22] : memref<2x4096x128xi32, #tpu.memory_space<hbm>> -> memref<1x128x128xi32, #tpu.memory_space<hbm>>
      %dma_start3A_24 = tpu.memref_squeeze %dma_start3A_23 : memref<1x128x128xi32, #tpu.memory_space<hbm>> -> memref<128x128xi32, #tpu.memory_space<hbm>>
      tpu.enqueue_dma source(%dma_start3A_24 : memref<128x128xi32, #tpu.memory_space<hbm>>) target(%dma_start3A_21 : memref<128x128xi32, #tpu.memory_space<vmem>>) target_semaphore(%run_scoped3A_13 : memref<!tpu.dma_semaphore, #tpu.memory_space<semaphore_mem>>)
      %dma_wait3A = arith.constant 128 : i32
      %dma_wait3A_25 = arith.constant 0 : i32
      %dma_wait3A_26 = tpu.memref_slice %arg5[%dma_wait3A, %dma_wait3A_25] : memref<256x128xi32, #tpu.memory_space<vmem>> -> memref<128x128xi32, #tpu.memory_space<vmem>>
      %dma_wait3A_27 = arith.constant 0 : i32
      %dma_wait3A_28 = tpu.memref_slice %arg2[%run_scoped3A_3, %mul3A_2, %dma_wait3A_27] : memref<2x4096x128xi32, #tpu.memory_space<hbm>> -> memref<1x128x128xi32, #tpu.memory_space<hbm>>
      %dma_wait3A_29 = tpu.memref_squeeze %dma_wait3A_28 : memref<1x128x128xi32, #tpu.memory_space<hbm>> -> memref<128x128xi32, #tpu.memory_space<hbm>>
      %dma_wait3A_30 = arith.constant 128 : i32
      %dma_wait3A_31 = arith.constant 0 : i32
      %dma_wait3A_32 = tpu.memref_slice %arg5[%dma_wait3A_30, %dma_wait3A_31] : memref<256x128xi32, #tpu.memory_space<vmem>> -> memref<128x128xi32, #tpu.memory_space<vmem>>
      %dma_wait3A_33 = arith.constant 0 : i32
      %dma_wait3A_34 = tpu.memref_slice %arg2[%run_scoped3A_3, %mul3A_2, %dma_wait3A_33] : memref<2x4096x128xi32, #tpu.memory_space<hbm>> -> memref<1x128x128xi32, #tpu.memory_space<hbm>>
      %dma_wait3A_35 = tpu.memref_squeeze %dma_wait3A_34 : memref<1x128x128xi32, #tpu.memory_space<hbm>> -> memref<128x128xi32, #tpu.memory_space<hbm>>
      tpu.wait_dma2 semaphore(%run_scoped3A_13 : memref<!tpu.dma_semaphore, #tpu.memory_space<semaphore_mem>>) src(%dma_wait3A_35 : memref<128x128xi32, #tpu.memory_space<hbm>>) dst(%dma_wait3A_32 : memref<128x128xi32, #tpu.memory_space<vmem>>)
      tpu.yield
    }) : () -> ()
    %scan3A = arith.constant 0 : i32
    %scan3A_4 = arith.constant 16 : i32
    %scan3A_5 = arith.addi %scan3A, %scan3A_4 : i32
    %scan3A_6 = arith.constant 1 : i32
    scf.for %scan3A_13 = %scan3A to %scan3A_5 step %scan3A_6  : i32 {
      %mul3A_14 = arith.constant 8 : i32
      %mul3A_15 = arith.muli %scan3A_13, %mul3A_14 : i32
      %add3A_16 = arith.constant 0 : i32
      %add3A_17 = arith.addi %add3A_16, %mul3A_15 : i32
      %add3A_18 = arith.constant 0 : i32
      %add3A_19 = arith.addi %add3A_17, %add3A_18 : i32
      %dma_start3A = arith.constant 0 : i32
      %dma_start3A_20 = arith.constant 0 : i32
      %dma_start3A_21 = arith.constant 0 : i32
      %dma_start3A_22 = tpu.memref_slice %arg6[%dma_start3A, %dma_start3A_20, %dma_start3A_21] : memref<8x104x64xf32, #tpu.memory_space<vmem>> -> memref<1x104x64xf32, #tpu.memory_space<vmem>>
      %dma_start3A_23 = tpu.memref_squeeze %dma_start3A_22 : memref<1x104x64xf32, #tpu.memory_space<vmem>> -> memref<104x64xf32, #tpu.memory_space<vmem>>
      %dma_start3A_24 = arith.constant 0 : i32
      %dma_start3A_25 = tpu.memref_slice %arg5[%add3A_19, %dma_start3A_24] : memref<256x128xi32, #tpu.memory_space<vmem>> -> memref<1x104xi32, #tpu.memory_space<vmem>>
      %dma_start3A_26 = tpu.memref_squeeze %dma_start3A_25 : memref<1x104xi32, #tpu.memory_space<vmem>> -> memref<104xi32, #tpu.memory_space<vmem>>
      %dma_start3A_27 = arith.constant 0 : i32
      %dma_start3A_28 = arith.constant 0 : i32
      %dma_start3A_29 = tpu.memref_slice %arg3[%dma_start3A_27, %dma_start3A_28] : memref<1048576x64xf32, #tpu.memory_space<hbm>> -> memref<1048576x64xf32, #tpu.memory_space<hbm>>
      tpu.enqueue_indirect_dma source(%dma_start3A_29 : memref<1048576x64xf32, #tpu.memory_space<hbm>>) target(%dma_start3A_23 : memref<104x64xf32, #tpu.memory_space<vmem>>) offsets(%dma_start3A_26 : memref<104xi32, #tpu.memory_space<vmem>>) semaphore(%arg7 : memref<!tpu.dma_semaphore, #tpu.memory_space<semaphore_mem>>)
      %add3A_30 = arith.constant 0 : i32
      %add3A_31 = arith.addi %add3A_30, %mul3A_15 : i32
      %add3A_32 = arith.constant 1 : i32
      %add3A_33 = arith.addi %add3A_31, %add3A_32 : i32
      %dma_start3A_34 = arith.constant 1 : i32
      %dma_start3A_35 = arith.constant 0 : i32
      %dma_start3A_36 = arith.constant 0 : i32
      %dma_start3A_37 = tpu.memref_slice %arg6[%dma_start3A_34, %dma_start3A_35, %dma_start3A_36] : memref<8x104x64xf32, #tpu.memory_space<vmem>> -> memref<1x104x64xf32, #tpu.memory_space<vmem>>
      %dma_start3A_38 = tpu.memref_squeeze %dma_start3A_37 : memref<1x104x64xf32, #tpu.memory_space<vmem>> -> memref<104x64xf32, #tpu.memory_space<vmem>>
      %dma_start3A_39 = arith.constant 0 : i32
      %dma_start3A_40 = tpu.memref_slice %arg5[%add3A_33, %dma_start3A_39] : memref<256x128xi32, #tpu.memory_space<vmem>> -> memref<1x104xi32, #tpu.memory_space<vmem>>
      %dma_start3A_41 = tpu.memref_squeeze %dma_start3A_40 : memref<1x104xi32, #tpu.memory_space<vmem>> -> memref<104xi32, #tpu.memory_space<vmem>>
      %dma_start3A_42 = arith.constant 0 : i32
      %dma_start3A_43 = arith.constant 0 : i32
      %dma_start3A_44 = tpu.memref_slice %arg3[%dma_start3A_42, %dma_start3A_43] : memref<1048576x64xf32, #tpu.memory_space<hbm>> -> memref<1048576x64xf32, #tpu.memory_space<hbm>>
      tpu.enqueue_indirect_dma source(%dma_start3A_44 : memref<1048576x64xf32, #tpu.memory_space<hbm>>) target(%dma_start3A_38 : memref<104x64xf32, #tpu.memory_space<vmem>>) offsets(%dma_start3A_41 : memref<104xi32, #tpu.memory_space<vmem>>) semaphore(%arg7 : memref<!tpu.dma_semaphore, #tpu.memory_space<semaphore_mem>>)
      %add3A_45 = arith.constant 0 : i32
      %add3A_46 = arith.addi %add3A_45, %mul3A_15 : i32
      %add3A_47 = arith.constant 2 : i32
      %add3A_48 = arith.addi %add3A_46, %add3A_47 : i32
      %dma_start3A_49 = arith.constant 2 : i32
      %dma_start3A_50 = arith.constant 0 : i32
      %dma_start3A_51 = arith.constant 0 : i32
      %dma_start3A_52 = tpu.memref_slice %arg6[%dma_start3A_49, %dma_start3A_50, %dma_start3A_51] : memref<8x104x64xf32, #tpu.memory_space<vmem>> -> memref<1x104x64xf32, #tpu.memory_space<vmem>>
      %dma_start3A_53 = tpu.memref_squeeze %dma_start3A_52 : memref<1x104x64xf32, #tpu.memory_space<vmem>> -> memref<104x64xf32, #tpu.memory_space<vmem>>
      %dma_start3A_54 = arith.constant 0 : i32
      %dma_start3A_55 = tpu.memref_slice %arg5[%add3A_48, %dma_start3A_54] : memref<256x128xi32, #tpu.memory_space<vmem>> -> memref<1x104xi32, #tpu.memory_space<vmem>>
      %dma_start3A_56 = tpu.memref_squeeze %dma_start3A_55 : memref<1x104xi32, #tpu.memory_space<vmem>> -> memref<104xi32, #tpu.memory_space<vmem>>
      %dma_start3A_57 = arith.constant 0 : i32
      %dma_start3A_58 = arith.constant 0 : i32
      %dma_start3A_59 = tpu.memref_slice %arg3[%dma_start3A_57, %dma_start3A_58] : memref<1048576x64xf32, #tpu.memory_space<hbm>> -> memref<1048576x64xf32, #tpu.memory_space<hbm>>
      tpu.enqueue_indirect_dma source(%dma_start3A_59 : memref<1048576x64xf32, #tpu.memory_space<hbm>>) target(%dma_start3A_53 : memref<104x64xf32, #tpu.memory_space<vmem>>) offsets(%dma_start3A_56 : memref<104xi32, #tpu.memory_space<vmem>>) semaphore(%arg7 : memref<!tpu.dma_semaphore, #tpu.memory_space<semaphore_mem>>)
      %add3A_60 = arith.constant 0 : i32
      %add3A_61 = arith.addi %add3A_60, %mul3A_15 : i32
      %add3A_62 = arith.constant 3 : i32
      %add3A_63 = arith.addi %add3A_61, %add3A_62 : i32
      %dma_start3A_64 = arith.constant 3 : i32
      %dma_start3A_65 = arith.constant 0 : i32
      %dma_start3A_66 = arith.constant 0 : i32
      %dma_start3A_67 = tpu.memref_slice %arg6[%dma_start3A_64, %dma_start3A_65, %dma_start3A_66] : memref<8x104x64xf32, #tpu.memory_space<vmem>> -> memref<1x104x64xf32, #tpu.memory_space<vmem>>
      %dma_start3A_68 = tpu.memref_squeeze %dma_start3A_67 : memref<1x104x64xf32, #tpu.memory_space<vmem>> -> memref<104x64xf32, #tpu.memory_space<vmem>>
      %dma_start3A_69 = arith.constant 0 : i32
      %dma_start3A_70 = tpu.memref_slice %arg5[%add3A_63, %dma_start3A_69] : memref<256x128xi32, #tpu.memory_space<vmem>> -> memref<1x104xi32, #tpu.memory_space<vmem>>
      %dma_start3A_71 = tpu.memref_squeeze %dma_start3A_70 : memref<1x104xi32, #tpu.memory_space<vmem>> -> memref<104xi32, #tpu.memory_space<vmem>>
      %dma_start3A_72 = arith.constant 0 : i32
      %dma_start3A_73 = arith.constant 0 : i32
      %dma_start3A_74 = tpu.memref_slice %arg3[%dma_start3A_72, %dma_start3A_73] : memref<1048576x64xf32, #tpu.memory_space<hbm>> -> memref<1048576x64xf32, #tpu.memory_space<hbm>>
      tpu.enqueue_indirect_dma source(%dma_start3A_74 : memref<1048576x64xf32, #tpu.memory_space<hbm>>) target(%dma_start3A_68 : memref<104x64xf32, #tpu.memory_space<vmem>>) offsets(%dma_start3A_71 : memref<104xi32, #tpu.memory_space<vmem>>) semaphore(%arg7 : memref<!tpu.dma_semaphore, #tpu.memory_space<semaphore_mem>>)
      %add3A_75 = arith.constant 0 : i32
      %add3A_76 = arith.addi %add3A_75, %mul3A_15 : i32
      %add3A_77 = arith.constant 4 : i32
      %add3A_78 = arith.addi %add3A_76, %add3A_77 : i32
      %dma_start3A_79 = arith.constant 4 : i32
      %dma_start3A_80 = arith.constant 0 : i32
      %dma_start3A_81 = arith.constant 0 : i32
      %dma_start3A_82 = tpu.memref_slice %arg6[%dma_start3A_79, %dma_start3A_80, %dma_start3A_81] : memref<8x104x64xf32, #tpu.memory_space<vmem>> -> memref<1x104x64xf32, #tpu.memory_space<vmem>>
      %dma_start3A_83 = tpu.memref_squeeze %dma_start3A_82 : memref<1x104x64xf32, #tpu.memory_space<vmem>> -> memref<104x64xf32, #tpu.memory_space<vmem>>
      %dma_start3A_84 = arith.constant 0 : i32
      %dma_start3A_85 = tpu.memref_slice %arg5[%add3A_78, %dma_start3A_84] : memref<256x128xi32, #tpu.memory_space<vmem>> -> memref<1x104xi32, #tpu.memory_space<vmem>>
      %dma_start3A_86 = tpu.memref_squeeze %dma_start3A_85 : memref<1x104xi32, #tpu.memory_space<vmem>> -> memref<104xi32, #tpu.memory_space<vmem>>
      %dma_start3A_87 = arith.constant 0 : i32
      %dma_start3A_88 = arith.constant 0 : i32
      %dma_start3A_89 = tpu.memref_slice %arg3[%dma_start3A_87, %dma_start3A_88] : memref<1048576x64xf32, #tpu.memory_space<hbm>> -> memref<1048576x64xf32, #tpu.memory_space<hbm>>
      tpu.enqueue_indirect_dma source(%dma_start3A_89 : memref<1048576x64xf32, #tpu.memory_space<hbm>>) target(%dma_start3A_83 : memref<104x64xf32, #tpu.memory_space<vmem>>) offsets(%dma_start3A_86 : memref<104xi32, #tpu.memory_space<vmem>>) semaphore(%arg7 : memref<!tpu.dma_semaphore, #tpu.memory_space<semaphore_mem>>)
      %add3A_90 = arith.constant 0 : i32
      %add3A_91 = arith.addi %add3A_90, %mul3A_15 : i32
      %add3A_92 = arith.constant 5 : i32
      %add3A_93 = arith.addi %add3A_91, %add3A_92 : i32
      %dma_start3A_94 = arith.constant 5 : i32
      %dma_start3A_95 = arith.constant 0 : i32
      %dma_start3A_96 = arith.constant 0 : i32
      %dma_start3A_97 = tpu.memref_slice %arg6[%dma_start3A_94, %dma_start3A_95, %dma_start3A_96] : memref<8x104x64xf32, #tpu.memory_space<vmem>> -> memref<1x104x64xf32, #tpu.memory_space<vmem>>
      %dma_start3A_98 = tpu.memref_squeeze %dma_start3A_97 : memref<1x104x64xf32, #tpu.memory_space<vmem>> -> memref<104x64xf32, #tpu.memory_space<vmem>>
      %dma_start3A_99 = arith.constant 0 : i32
      %dma_start3A_100 = tpu.memref_slice %arg5[%add3A_93, %dma_start3A_99] : memref<256x128xi32, #tpu.memory_space<vmem>> -> memref<1x104xi32, #tpu.memory_space<vmem>>
      %dma_start3A_101 = tpu.memref_squeeze %dma_start3A_100 : memref<1x104xi32, #tpu.memory_space<vmem>> -> memref<104xi32, #tpu.memory_space<vmem>>
      %dma_start3A_102 = arith.constant 0 : i32
      %dma_start3A_103 = arith.constant 0 : i32
      %dma_start3A_104 = tpu.memref_slice %arg3[%dma_start3A_102, %dma_start3A_103] : memref<1048576x64xf32, #tpu.memory_space<hbm>> -> memref<1048576x64xf32, #tpu.memory_space<hbm>>
      tpu.enqueue_indirect_dma source(%dma_start3A_104 : memref<1048576x64xf32, #tpu.memory_space<hbm>>) target(%dma_start3A_98 : memref<104x64xf32, #tpu.memory_space<vmem>>) offsets(%dma_start3A_101 : memref<104xi32, #tpu.memory_space<vmem>>) semaphore(%arg7 : memref<!tpu.dma_semaphore, #tpu.memory_space<semaphore_mem>>)
      %add3A_105 = arith.constant 0 : i32
      %add3A_106 = arith.addi %add3A_105, %mul3A_15 : i32
      %add3A_107 = arith.constant 6 : i32
      %add3A_108 = arith.addi %add3A_106, %add3A_107 : i32
      %dma_start3A_109 = arith.constant 6 : i32
      %dma_start3A_110 = arith.constant 0 : i32
      %dma_start3A_111 = arith.constant 0 : i32
      %dma_start3A_112 = tpu.memref_slice %arg6[%dma_start3A_109, %dma_start3A_110, %dma_start3A_111] : memref<8x104x64xf32, #tpu.memory_space<vmem>> -> memref<1x104x64xf32, #tpu.memory_space<vmem>>
      %dma_start3A_113 = tpu.memref_squeeze %dma_start3A_112 : memref<1x104x64xf32, #tpu.memory_space<vmem>> -> memref<104x64xf32, #tpu.memory_space<vmem>>
      %dma_start3A_114 = arith.constant 0 : i32
      %dma_start3A_115 = tpu.memref_slice %arg5[%add3A_108, %dma_start3A_114] : memref<256x128xi32, #tpu.memory_space<vmem>> -> memref<1x104xi32, #tpu.memory_space<vmem>>
      %dma_start3A_116 = tpu.memref_squeeze %dma_start3A_115 : memref<1x104xi32, #tpu.memory_space<vmem>> -> memref<104xi32, #tpu.memory_space<vmem>>
      %dma_start3A_117 = arith.constant 0 : i32
      %dma_start3A_118 = arith.constant 0 : i32
      %dma_start3A_119 = tpu.memref_slice %arg3[%dma_start3A_117, %dma_start3A_118] : memref<1048576x64xf32, #tpu.memory_space<hbm>> -> memref<1048576x64xf32, #tpu.memory_space<hbm>>
      tpu.enqueue_indirect_dma source(%dma_start3A_119 : memref<1048576x64xf32, #tpu.memory_space<hbm>>) target(%dma_start3A_113 : memref<104x64xf32, #tpu.memory_space<vmem>>) offsets(%dma_start3A_116 : memref<104xi32, #tpu.memory_space<vmem>>) semaphore(%arg7 : memref<!tpu.dma_semaphore, #tpu.memory_space<semaphore_mem>>)
      %add3A_120 = arith.constant 0 : i32
      %add3A_121 = arith.addi %add3A_120, %mul3A_15 : i32
      %add3A_122 = arith.constant 7 : i32
      %add3A_123 = arith.addi %add3A_121, %add3A_122 : i32
      %dma_start3A_124 = arith.constant 7 : i32
      %dma_start3A_125 = arith.constant 0 : i32
      %dma_start3A_126 = arith.constant 0 : i32
      %dma_start3A_127 = tpu.memref_slice %arg6[%dma_start3A_124, %dma_start3A_125, %dma_start3A_126] : memref<8x104x64xf32, #tpu.memory_space<vmem>> -> memref<1x104x64xf32, #tpu.memory_space<vmem>>
      %dma_start3A_128 = tpu.memref_squeeze %dma_start3A_127 : memref<1x104x64xf32, #tpu.memory_space<vmem>> -> memref<104x64xf32, #tpu.memory_space<vmem>>
      %dma_start3A_129 = arith.constant 0 : i32
      %dma_start3A_130 = tpu.memref_slice %arg5[%add3A_123, %dma_start3A_129] : memref<256x128xi32, #tpu.memory_space<vmem>> -> memref<1x104xi32, #tpu.memory_space<vmem>>
      %dma_start3A_131 = tpu.memref_squeeze %dma_start3A_130 : memref<1x104xi32, #tpu.memory_space<vmem>> -> memref<104xi32, #tpu.memory_space<vmem>>
      %dma_start3A_132 = arith.constant 0 : i32
      %dma_start3A_133 = arith.constant 0 : i32
      %dma_start3A_134 = tpu.memref_slice %arg3[%dma_start3A_132, %dma_start3A_133] : memref<1048576x64xf32, #tpu.memory_space<hbm>> -> memref<1048576x64xf32, #tpu.memory_space<hbm>>
      tpu.enqueue_indirect_dma source(%dma_start3A_134 : memref<1048576x64xf32, #tpu.memory_space<hbm>>) target(%dma_start3A_128 : memref<104x64xf32, #tpu.memory_space<vmem>>) offsets(%dma_start3A_131 : memref<104xi32, #tpu.memory_space<vmem>>) semaphore(%arg7 : memref<!tpu.dma_semaphore, #tpu.memory_space<semaphore_mem>>)
      %dma_wait3A = arith.constant 0 : i32
      %dma_wait3A_135 = arith.constant 0 : i32
      %dma_wait3A_136 = arith.constant 0 : i32
      %dma_wait3A_137 = tpu.memref_slice %arg6[%dma_wait3A, %dma_wait3A_135, %dma_wait3A_136] : memref<8x104x64xf32, #tpu.memory_space<vmem>> -> memref<1x104x64xf32, #tpu.memory_space<vmem>>
      %dma_wait3A_138 = tpu.memref_squeeze %dma_wait3A_137 : memref<1x104x64xf32, #tpu.memory_space<vmem>> -> memref<104x64xf32, #tpu.memory_space<vmem>>
      %dma_wait3A_139 = arith.constant 0 : i32
      %dma_wait3A_140 = tpu.memref_slice %arg5[%add3A_19, %dma_wait3A_139] : memref<256x128xi32, #tpu.memory_space<vmem>> -> memref<1x104xi32, #tpu.memory_space<vmem>>
      %dma_wait3A_141 = tpu.memref_squeeze %dma_wait3A_140 : memref<1x104xi32, #tpu.memory_space<vmem>> -> memref<104xi32, #tpu.memory_space<vmem>>
      %dma_wait3A_142 = arith.constant 0 : i32
      %dma_wait3A_143 = arith.constant 0 : i32
      %dma_wait3A_144 = tpu.memref_slice %arg3[%dma_wait3A_142, %dma_wait3A_143] : memref<1048576x64xf32, #tpu.memory_space<hbm>> -> memref<1048576x64xf32, #tpu.memory_space<hbm>>
      tpu.wait_indirect_dma semaphore(%arg7 : memref<!tpu.dma_semaphore, #tpu.memory_space<semaphore_mem>>) src(%dma_wait3A_144 : memref<1048576x64xf32, #tpu.memory_space<hbm>>) dst(%dma_wait3A_138 : memref<104x64xf32, #tpu.memory_space<vmem>>)
      %add3A_145 = arith.addi %mul3A_2, %mul3A_15 : i32
      %add3A_146 = arith.constant 0 : i32
      %add3A_147 = arith.addi %add3A_145, %add3A_146 : i32
      %dma_start3A_148 = arith.constant 0 : i32
      %dma_start3A_149 = arith.constant 0 : i32
      %dma_start3A_150 = arith.constant 0 : i32
      %dma_start3A_151 = tpu.memref_slice %arg6[%dma_start3A_148, %dma_start3A_149, %dma_start3A_150] : memref<8x104x64xf32, #tpu.memory_space<vmem>> -> memref<1x104x64xf32, #tpu.memory_space<vmem>>
      %dma_start3A_152 = tpu.memref_squeeze %dma_start3A_151 : memref<1x104x64xf32, #tpu.memory_space<vmem>> -> memref<104x64xf32, #tpu.memory_space<vmem>>
      %dma_start3A_153 = arith.constant 0 : i32
      %dma_start3A_154 = arith.constant 0 : i32
      %dma_start3A_155 = tpu.memref_slice %arg4[%add3A_147, %dma_start3A_153, %dma_start3A_154] : memref<4096x200x64xf32, #tpu.memory_space<hbm>> -> memref<1x104x64xf32, #tpu.memory_space<hbm>>
      %dma_start3A_156 = tpu.memref_squeeze %dma_start3A_155 : memref<1x104x64xf32, #tpu.memory_space<hbm>> -> memref<104x64xf32, #tpu.memory_space<hbm>>
      %dma_start3A_157 = arith.constant 0 : i32
      %dma_start3A_158 = arith.constant 0 : i32
      %dma_start3A_159 = tpu.memref_slice %arg4[%add3A_147, %dma_start3A_157, %dma_start3A_158] : memref<4096x200x64xf32, #tpu.memory_space<hbm>> -> memref<1x104x64xf32, #tpu.memory_space<hbm>>
      %dma_start3A_160 = tpu.memref_squeeze %dma_start3A_159 : memref<1x104x64xf32, #tpu.memory_space<hbm>> -> memref<104x64xf32, #tpu.memory_space<hbm>>
      %dma_start3A_161 = arith.constant 0 : i32
      %dma_start3A_162 = arith.constant 0 : i32
      %dma_start3A_163 = tpu.memref_slice %arg6[%dma_start3A_148, %dma_start3A_161, %dma_start3A_162] : memref<8x104x64xf32, #tpu.memory_space<vmem>> -> memref<1x104x64xf32, #tpu.memory_space<vmem>>
      %dma_start3A_164 = tpu.memref_squeeze %dma_start3A_163 : memref<1x104x64xf32, #tpu.memory_space<vmem>> -> memref<104x64xf32, #tpu.memory_space<vmem>>
      tpu.enqueue_dma source(%dma_start3A_164 : memref<104x64xf32, #tpu.memory_space<vmem>>) target(%dma_start3A_160 : memref<104x64xf32, #tpu.memory_space<hbm>>) target_semaphore(%arg8 : memref<!tpu.dma_semaphore, #tpu.memory_space<semaphore_mem>>)
      %dma_wait3A_165 = arith.constant 1 : i32
      %dma_wait3A_166 = arith.constant 0 : i32
      %dma_wait3A_167 = arith.constant 0 : i32
      %dma_wait3A_168 = tpu.memref_slice %arg6[%dma_wait3A_165, %dma_wait3A_166, %dma_wait3A_167] : memref<8x104x64xf32, #tpu.memory_space<vmem>> -> memref<1x104x64xf32, #tpu.memory_space<vmem>>
      %dma_wait3A_169 = tpu.memref_squeeze %dma_wait3A_168 : memref<1x104x64xf32, #tpu.memory_space<vmem>> -> memref<104x64xf32, #tpu.memory_space<vmem>>
      %dma_wait3A_170 = arith.constant 0 : i32
      %dma_wait3A_171 = tpu.memref_slice %arg5[%add3A_33, %dma_wait3A_170] : memref<256x128xi32, #tpu.memory_space<vmem>> -> memref<1x104xi32, #tpu.memory_space<vmem>>
      %dma_wait3A_172 = tpu.memref_squeeze %dma_wait3A_171 : memref<1x104xi32, #tpu.memory_space<vmem>> -> memref<104xi32, #tpu.memory_space<vmem>>
      %dma_wait3A_173 = arith.constant 0 : i32
      %dma_wait3A_174 = arith.constant 0 : i32
      %dma_wait3A_175 = tpu.memref_slice %arg3[%dma_wait3A_173, %dma_wait3A_174] : memref<1048576x64xf32, #tpu.memory_space<hbm>> -> memref<1048576x64xf32, #tpu.memory_space<hbm>>
      tpu.wait_indirect_dma semaphore(%arg7 : memref<!tpu.dma_semaphore, #tpu.memory_space<semaphore_mem>>) src(%dma_wait3A_175 : memref<1048576x64xf32, #tpu.memory_space<hbm>>) dst(%dma_wait3A_169 : memref<104x64xf32, #tpu.memory_space<vmem>>)
      %add3A_176 = arith.addi %mul3A_2, %mul3A_15 : i32
      %add3A_177 = arith.constant 1 : i32
      %add3A_178 = arith.addi %add3A_176, %add3A_177 : i32
      %dma_start3A_179 = arith.constant 1 : i32
      %dma_start3A_180 = arith.constant 0 : i32
      %dma_start3A_181 = arith.constant 0 : i32
      %dma_start3A_182 = tpu.memref_slice %arg6[%dma_start3A_179, %dma_start3A_180, %dma_start3A_181] : memref<8x104x64xf32, #tpu.memory_space<vmem>> -> memref<1x104x64xf32, #tpu.memory_space<vmem>>
      %dma_start3A_183 = tpu.memref_squeeze %dma_start3A_182 : memref<1x104x64xf32, #tpu.memory_space<vmem>> -> memref<104x64xf32, #tpu.memory_space<vmem>>
      %dma_start3A_184 = arith.constant 0 : i32
      %dma_start3A_185 = arith.constant 0 : i32
      %dma_start3A_186 = tpu.memref_slice %arg4[%add3A_178, %dma_start3A_184, %dma_start3A_185] : memref<4096x200x64xf32, #tpu.memory_space<hbm>> -> memref<1x104x64xf32, #tpu.memory_space<hbm>>
      %dma_start3A_187 = tpu.memref_squeeze %dma_start3A_186 : memref<1x104x64xf32, #tpu.memory_space<hbm>> -> memref<104x64xf32, #tpu.memory_space<hbm>>
      %dma_start3A_188 = arith.constant 0 : i32
      %dma_start3A_189 = arith.constant 0 : i32
      %dma_start3A_190 = tpu.memref_slice %arg4[%add3A_178, %dma_start3A_188, %dma_start3A_189] : memref<4096x200x64xf32, #tpu.memory_space<hbm>> -> memref<1x104x64xf32, #tpu.memory_space<hbm>>
      %dma_start3A_191 = tpu.memref_squeeze %dma_start3A_190 : memref<1x104x64xf32, #tpu.memory_space<hbm>> -> memref<104x64xf32, #tpu.memory_space<hbm>>
      %dma_start3A_192 = arith.constant 0 : i32
      %dma_start3A_193 = arith.constant 0 : i32
      %dma_start3A_194 = tpu.memref_slice %arg6[%dma_start3A_179, %dma_start3A_192, %dma_start3A_193] : memref<8x104x64xf32, #tpu.memory_space<vmem>> -> memref<1x104x64xf32, #tpu.memory_space<vmem>>
      %dma_start3A_195 = tpu.memref_squeeze %dma_start3A_194 : memref<1x104x64xf32, #tpu.memory_space<vmem>> -> memref<104x64xf32, #tpu.memory_space<vmem>>
      tpu.enqueue_dma source(%dma_start3A_195 : memref<104x64xf32, #tpu.memory_space<vmem>>) target(%dma_start3A_191 : memref<104x64xf32, #tpu.memory_space<hbm>>) target_semaphore(%arg8 : memref<!tpu.dma_semaphore, #tpu.memory_space<semaphore_mem>>)
      %dma_wait3A_196 = arith.constant 2 : i32
      %dma_wait3A_197 = arith.constant 0 : i32
      %dma_wait3A_198 = arith.constant 0 : i32
      %dma_wait3A_199 = tpu.memref_slice %arg6[%dma_wait3A_196, %dma_wait3A_197, %dma_wait3A_198] : memref<8x104x64xf32, #tpu.memory_space<vmem>> -> memref<1x104x64xf32, #tpu.memory_space<vmem>>
      %dma_wait3A_200 = tpu.memref_squeeze %dma_wait3A_199 : memref<1x104x64xf32, #tpu.memory_space<vmem>> -> memref<104x64xf32, #tpu.memory_space<vmem>>
      %dma_wait3A_201 = arith.constant 0 : i32
      %dma_wait3A_202 = tpu.memref_slice %arg5[%add3A_48, %dma_wait3A_201] : memref<256x128xi32, #tpu.memory_space<vmem>> -> memref<1x104xi32, #tpu.memory_space<vmem>>
      %dma_wait3A_203 = tpu.memref_squeeze %dma_wait3A_202 : memref<1x104xi32, #tpu.memory_space<vmem>> -> memref<104xi32, #tpu.memory_space<vmem>>
      %dma_wait3A_204 = arith.constant 0 : i32
      %dma_wait3A_205 = arith.constant 0 : i32
      %dma_wait3A_206 = tpu.memref_slice %arg3[%dma_wait3A_204, %dma_wait3A_205] : memref<1048576x64xf32, #tpu.memory_space<hbm>> -> memref<1048576x64xf32, #tpu.memory_space<hbm>>
      tpu.wait_indirect_dma semaphore(%arg7 : memref<!tpu.dma_semaphore, #tpu.memory_space<semaphore_mem>>) src(%dma_wait3A_206 : memref<1048576x64xf32, #tpu.memory_space<hbm>>) dst(%dma_wait3A_200 : memref<104x64xf32, #tpu.memory_space<vmem>>)
      %add3A_207 = arith.addi %mul3A_2, %mul3A_15 : i32
      %add3A_208 = arith.constant 2 : i32
      %add3A_209 = arith.addi %add3A_207, %add3A_208 : i32
      %dma_start3A_210 = arith.constant 2 : i32
      %dma_start3A_211 = arith.constant 0 : i32
      %dma_start3A_212 = arith.constant 0 : i32
      %dma_start3A_213 = tpu.memref_slice %arg6[%dma_start3A_210, %dma_start3A_211, %dma_start3A_212] : memref<8x104x64xf32, #tpu.memory_space<vmem>> -> memref<1x104x64xf32, #tpu.memory_space<vmem>>
      %dma_start3A_214 = tpu.memref_squeeze %dma_start3A_213 : memref<1x104x64xf32, #tpu.memory_space<vmem>> -> memref<104x64xf32, #tpu.memory_space<vmem>>
      %dma_start3A_215 = arith.constant 0 : i32
      %dma_start3A_216 = arith.constant 0 : i32
      %dma_start3A_217 = tpu.memref_slice %arg4[%add3A_209, %dma_start3A_215, %dma_start3A_216] : memref<4096x200x64xf32, #tpu.memory_space<hbm>> -> memref<1x104x64xf32, #tpu.memory_space<hbm>>
      %dma_start3A_218 = tpu.memref_squeeze %dma_start3A_217 : memref<1x104x64xf32, #tpu.memory_space<hbm>> -> memref<104x64xf32, #tpu.memory_space<hbm>>
      %dma_start3A_219 = arith.constant 0 : i32
      %dma_start3A_220 = arith.constant 0 : i32
      %dma_start3A_221 = tpu.memref_slice %arg4[%add3A_209, %dma_start3A_219, %dma_start3A_220] : memref<4096x200x64xf32, #tpu.memory_space<hbm>> -> memref<1x104x64xf32, #tpu.memory_space<hbm>>
      %dma_start3A_222 = tpu.memref_squeeze %dma_start3A_221 : memref<1x104x64xf32, #tpu.memory_space<hbm>> -> memref<104x64xf32, #tpu.memory_space<hbm>>
      %dma_start3A_223 = arith.constant 0 : i32
      %dma_start3A_224 = arith.constant 0 : i32
      %dma_start3A_225 = tpu.memref_slice %arg6[%dma_start3A_210, %dma_start3A_223, %dma_start3A_224] : memref<8x104x64xf32, #tpu.memory_space<vmem>> -> memref<1x104x64xf32, #tpu.memory_space<vmem>>
      %dma_start3A_226 = tpu.memref_squeeze %dma_start3A_225 : memref<1x104x64xf32, #tpu.memory_space<vmem>> -> memref<104x64xf32, #tpu.memory_space<vmem>>
      tpu.enqueue_dma source(%dma_start3A_226 : memref<104x64xf32, #tpu.memory_space<vmem>>) target(%dma_start3A_222 : memref<104x64xf32, #tpu.memory_space<hbm>>) target_semaphore(%arg8 : memref<!tpu.dma_semaphore, #tpu.memory_space<semaphore_mem>>)
      %dma_wait3A_227 = arith.constant 3 : i32
      %dma_wait3A_228 = arith.constant 0 : i32
      %dma_wait3A_229 = arith.constant 0 : i32
      %dma_wait3A_230 = tpu.memref_slice %arg6[%dma_wait3A_227, %dma_wait3A_228, %dma_wait3A_229] : memref<8x104x64xf32, #tpu.memory_space<vmem>> -> memref<1x104x64xf32, #tpu.memory_space<vmem>>
      %dma_wait3A_231 = tpu.memref_squeeze %dma_wait3A_230 : memref<1x104x64xf32, #tpu.memory_space<vmem>> -> memref<104x64xf32, #tpu.memory_space<vmem>>
      %dma_wait3A_232 = arith.constant 0 : i32
      %dma_wait3A_233 = tpu.memref_slice %arg5[%add3A_63, %dma_wait3A_232] : memref<256x128xi32, #tpu.memory_space<vmem>> -> memref<1x104xi32, #tpu.memory_space<vmem>>
      %dma_wait3A_234 = tpu.memref_squeeze %dma_wait3A_233 : memref<1x104xi32, #tpu.memory_space<vmem>> -> memref<104xi32, #tpu.memory_space<vmem>>
      %dma_wait3A_235 = arith.constant 0 : i32
      %dma_wait3A_236 = arith.constant 0 : i32
      %dma_wait3A_237 = tpu.memref_slice %arg3[%dma_wait3A_235, %dma_wait3A_236] : memref<1048576x64xf32, #tpu.memory_space<hbm>> -> memref<1048576x64xf32, #tpu.memory_space<hbm>>
      tpu.wait_indirect_dma semaphore(%arg7 : memref<!tpu.dma_semaphore, #tpu.memory_space<semaphore_mem>>) src(%dma_wait3A_237 : memref<1048576x64xf32, #tpu.memory_space<hbm>>) dst(%dma_wait3A_231 : memref<104x64xf32, #tpu.memory_space<vmem>>)
      %add3A_238 = arith.addi %mul3A_2, %mul3A_15 : i32
      %add3A_239 = arith.constant 3 : i32
      %add3A_240 = arith.addi %add3A_238, %add3A_239 : i32
      %dma_start3A_241 = arith.constant 3 : i32
      %dma_start3A_242 = arith.constant 0 : i32
      %dma_start3A_243 = arith.constant 0 : i32
      %dma_start3A_244 = tpu.memref_slice %arg6[%dma_start3A_241, %dma_start3A_242, %dma_start3A_243] : memref<8x104x64xf32, #tpu.memory_space<vmem>> -> memref<1x104x64xf32, #tpu.memory_space<vmem>>
      %dma_start3A_245 = tpu.memref_squeeze %dma_start3A_244 : memref<1x104x64xf32, #tpu.memory_space<vmem>> -> memref<104x64xf32, #tpu.memory_space<vmem>>
      %dma_start3A_246 = arith.constant 0 : i32
      %dma_start3A_247 = arith.constant 0 : i32
      %dma_start3A_248 = tpu.memref_slice %arg4[%add3A_240, %dma_start3A_246, %dma_start3A_247] : memref<4096x200x64xf32, #tpu.memory_space<hbm>> -> memref<1x104x64xf32, #tpu.memory_space<hbm>>
      %dma_start3A_249 = tpu.memref_squeeze %dma_start3A_248 : memref<1x104x64xf32, #tpu.memory_space<hbm>> -> memref<104x64xf32, #tpu.memory_space<hbm>>
      %dma_start3A_250 = arith.constant 0 : i32
      %dma_start3A_251 = arith.constant 0 : i32
      %dma_start3A_252 = tpu.memref_slice %arg4[%add3A_240, %dma_start3A_250, %dma_start3A_251] : memref<4096x200x64xf32, #tpu.memory_space<hbm>> -> memref<1x104x64xf32, #tpu.memory_space<hbm>>
      %dma_start3A_253 = tpu.memref_squeeze %dma_start3A_252 : memref<1x104x64xf32, #tpu.memory_space<hbm>> -> memref<104x64xf32, #tpu.memory_space<hbm>>
      %dma_start3A_254 = arith.constant 0 : i32
      %dma_start3A_255 = arith.constant 0 : i32
      %dma_start3A_256 = tpu.memref_slice %arg6[%dma_start3A_241, %dma_start3A_254, %dma_start3A_255] : memref<8x104x64xf32, #tpu.memory_space<vmem>> -> memref<1x104x64xf32, #tpu.memory_space<vmem>>
      %dma_start3A_257 = tpu.memref_squeeze %dma_start3A_256 : memref<1x104x64xf32, #tpu.memory_space<vmem>> -> memref<104x64xf32, #tpu.memory_space<vmem>>
      tpu.enqueue_dma source(%dma_start3A_257 : memref<104x64xf32, #tpu.memory_space<vmem>>) target(%dma_start3A_253 : memref<104x64xf32, #tpu.memory_space<hbm>>) target_semaphore(%arg8 : memref<!tpu.dma_semaphore, #tpu.memory_space<semaphore_mem>>)
      %dma_wait3A_258 = arith.constant 4 : i32
      %dma_wait3A_259 = arith.constant 0 : i32
      %dma_wait3A_260 = arith.constant 0 : i32
      %dma_wait3A_261 = tpu.memref_slice %arg6[%dma_wait3A_258, %dma_wait3A_259, %dma_wait3A_260] : memref<8x104x64xf32, #tpu.memory_space<vmem>> -> memref<1x104x64xf32, #tpu.memory_space<vmem>>
      %dma_wait3A_262 = tpu.memref_squeeze %dma_wait3A_261 : memref<1x104x64xf32, #tpu.memory_space<vmem>> -> memref<104x64xf32, #tpu.memory_space<vmem>>
      %dma_wait3A_263 = arith.constant 0 : i32
      %dma_wait3A_264 = tpu.memref_slice %arg5[%add3A_78, %dma_wait3A_263] : memref<256x128xi32, #tpu.memory_space<vmem>> -> memref<1x104xi32, #tpu.memory_space<vmem>>
      %dma_wait3A_265 = tpu.memref_squeeze %dma_wait3A_264 : memref<1x104xi32, #tpu.memory_space<vmem>> -> memref<104xi32, #tpu.memory_space<vmem>>
      %dma_wait3A_266 = arith.constant 0 : i32
      %dma_wait3A_267 = arith.constant 0 : i32
      %dma_wait3A_268 = tpu.memref_slice %arg3[%dma_wait3A_266, %dma_wait3A_267] : memref<1048576x64xf32, #tpu.memory_space<hbm>> -> memref<1048576x64xf32, #tpu.memory_space<hbm>>
      tpu.wait_indirect_dma semaphore(%arg7 : memref<!tpu.dma_semaphore, #tpu.memory_space<semaphore_mem>>) src(%dma_wait3A_268 : memref<1048576x64xf32, #tpu.memory_space<hbm>>) dst(%dma_wait3A_262 : memref<104x64xf32, #tpu.memory_space<vmem>>)
      %add3A_269 = arith.addi %mul3A_2, %mul3A_15 : i32
      %add3A_270 = arith.constant 4 : i32
      %add3A_271 = arith.addi %add3A_269, %add3A_270 : i32
      %dma_start3A_272 = arith.constant 4 : i32
      %dma_start3A_273 = arith.constant 0 : i32
      %dma_start3A_274 = arith.constant 0 : i32
      %dma_start3A_275 = tpu.memref_slice %arg6[%dma_start3A_272, %dma_start3A_273, %dma_start3A_274] : memref<8x104x64xf32, #tpu.memory_space<vmem>> -> memref<1x104x64xf32, #tpu.memory_space<vmem>>
      %dma_start3A_276 = tpu.memref_squeeze %dma_start3A_275 : memref<1x104x64xf32, #tpu.memory_space<vmem>> -> memref<104x64xf32, #tpu.memory_space<vmem>>
      %dma_start3A_277 = arith.constant 0 : i32
      %dma_start3A_278 = arith.constant 0 : i32
      %dma_start3A_279 = tpu.memref_slice %arg4[%add3A_271, %dma_start3A_277, %dma_start3A_278] : memref<4096x200x64xf32, #tpu.memory_space<hbm>> -> memref<1x104x64xf32, #tpu.memory_space<hbm>>
      %dma_start3A_280 = tpu.memref_squeeze %dma_start3A_279 : memref<1x104x64xf32, #tpu.memory_space<hbm>> -> memref<104x64xf32, #tpu.memory_space<hbm>>
      %dma_start3A_281 = arith.constant 0 : i32
      %dma_start3A_282 = arith.constant 0 : i32
      %dma_start3A_283 = tpu.memref_slice %arg4[%add3A_271, %dma_start3A_281, %dma_start3A_282] : memref<4096x200x64xf32, #tpu.memory_space<hbm>> -> memref<1x104x64xf32, #tpu.memory_space<hbm>>
      %dma_start3A_284 = tpu.memref_squeeze %dma_start3A_283 : memref<1x104x64xf32, #tpu.memory_space<hbm>> -> memref<104x64xf32, #tpu.memory_space<hbm>>
      %dma_start3A_285 = arith.constant 0 : i32
      %dma_start3A_286 = arith.constant 0 : i32
      %dma_start3A_287 = tpu.memref_slice %arg6[%dma_start3A_272, %dma_start3A_285, %dma_start3A_286] : memref<8x104x64xf32, #tpu.memory_space<vmem>> -> memref<1x104x64xf32, #tpu.memory_space<vmem>>
      %dma_start3A_288 = tpu.memref_squeeze %dma_start3A_287 : memref<1x104x64xf32, #tpu.memory_space<vmem>> -> memref<104x64xf32, #tpu.memory_space<vmem>>
      tpu.enqueue_dma source(%dma_start3A_288 : memref<104x64xf32, #tpu.memory_space<vmem>>) target(%dma_start3A_284 : memref<104x64xf32, #tpu.memory_space<hbm>>) target_semaphore(%arg8 : memref<!tpu.dma_semaphore, #tpu.memory_space<semaphore_mem>>)
      %dma_wait3A_289 = arith.constant 5 : i32
      %dma_wait3A_290 = arith.constant 0 : i32
      %dma_wait3A_291 = arith.constant 0 : i32
      %dma_wait3A_292 = tpu.memref_slice %arg6[%dma_wait3A_289, %dma_wait3A_290, %dma_wait3A_291] : memref<8x104x64xf32, #tpu.memory_space<vmem>> -> memref<1x104x64xf32, #tpu.memory_space<vmem>>
      %dma_wait3A_293 = tpu.memref_squeeze %dma_wait3A_292 : memref<1x104x64xf32, #tpu.memory_space<vmem>> -> memref<104x64xf32, #tpu.memory_space<vmem>>
      %dma_wait3A_294 = arith.constant 0 : i32
      %dma_wait3A_295 = tpu.memref_slice %arg5[%add3A_93, %dma_wait3A_294] : memref<256x128xi32, #tpu.memory_space<vmem>> -> memref<1x104xi32, #tpu.memory_space<vmem>>
      %dma_wait3A_296 = tpu.memref_squeeze %dma_wait3A_295 : memref<1x104xi32, #tpu.memory_space<vmem>> -> memref<104xi32, #tpu.memory_space<vmem>>
      %dma_wait3A_297 = arith.constant 0 : i32
      %dma_wait3A_298 = arith.constant 0 : i32
      %dma_wait3A_299 = tpu.memref_slice %arg3[%dma_wait3A_297, %dma_wait3A_298] : memref<1048576x64xf32, #tpu.memory_space<hbm>> -> memref<1048576x64xf32, #tpu.memory_space<hbm>>
      tpu.wait_indirect_dma semaphore(%arg7 : memref<!tpu.dma_semaphore, #tpu.memory_space<semaphore_mem>>) src(%dma_wait3A_299 : memref<1048576x64xf32, #tpu.memory_space<hbm>>) dst(%dma_wait3A_293 : memref<104x64xf32, #tpu.memory_space<vmem>>)
      %add3A_300 = arith.addi %mul3A_2, %mul3A_15 : i32
      %add3A_301 = arith.constant 5 : i32
      %add3A_302 = arith.addi %add3A_300, %add3A_301 : i32
      %dma_start3A_303 = arith.constant 5 : i32
      %dma_start3A_304 = arith.constant 0 : i32
      %dma_start3A_305 = arith.constant 0 : i32
      %dma_start3A_306 = tpu.memref_slice %arg6[%dma_start3A_303, %dma_start3A_304, %dma_start3A_305] : memref<8x104x64xf32, #tpu.memory_space<vmem>> -> memref<1x104x64xf32, #tpu.memory_space<vmem>>
      %dma_start3A_307 = tpu.memref_squeeze %dma_start3A_306 : memref<1x104x64xf32, #tpu.memory_space<vmem>> -> memref<104x64xf32, #tpu.memory_space<vmem>>
      %dma_start3A_308 = arith.constant 0 : i32
      %dma_start3A_309 = arith.constant 0 : i32
      %dma_start3A_310 = tpu.memref_slice %arg4[%add3A_302, %dma_start3A_308, %dma_start3A_309] : memref<4096x200x64xf32, #tpu.memory_space<hbm>> -> memref<1x104x64xf32, #tpu.memory_space<hbm>>
      %dma_start3A_311 = tpu.memref_squeeze %dma_start3A_310 : memref<1x104x64xf32, #tpu.memory_space<hbm>> -> memref<104x64xf32, #tpu.memory_space<hbm>>
      %dma_start3A_312 = arith.constant 0 : i32
      %dma_start3A_313 = arith.constant 0 : i32
      %dma_start3A_314 = tpu.memref_slice %arg4[%add3A_302, %dma_start3A_312, %dma_start3A_313] : memref<4096x200x64xf32, #tpu.memory_space<hbm>> -> memref<1x104x64xf32, #tpu.memory_space<hbm>>
      %dma_start3A_315 = tpu.memref_squeeze %dma_start3A_314 : memref<1x104x64xf32, #tpu.memory_space<hbm>> -> memref<104x64xf32, #tpu.memory_space<hbm>>
      %dma_start3A_316 = arith.constant 0 : i32
      %dma_start3A_317 = arith.constant 0 : i32
      %dma_start3A_318 = tpu.memref_slice %arg6[%dma_start3A_303, %dma_start3A_316, %dma_start3A_317] : memref<8x104x64xf32, #tpu.memory_space<vmem>> -> memref<1x104x64xf32, #tpu.memory_space<vmem>>
      %dma_start3A_319 = tpu.memref_squeeze %dma_start3A_318 : memref<1x104x64xf32, #tpu.memory_space<vmem>> -> memref<104x64xf32, #tpu.memory_space<vmem>>
      tpu.enqueue_dma source(%dma_start3A_319 : memref<104x64xf32, #tpu.memory_space<vmem>>) target(%dma_start3A_315 : memref<104x64xf32, #tpu.memory_space<hbm>>) target_semaphore(%arg8 : memref<!tpu.dma_semaphore, #tpu.memory_space<semaphore_mem>>)
      %dma_wait3A_320 = arith.constant 6 : i32
      %dma_wait3A_321 = arith.constant 0 : i32
      %dma_wait3A_322 = arith.constant 0 : i32
      %dma_wait3A_323 = tpu.memref_slice %arg6[%dma_wait3A_320, %dma_wait3A_321, %dma_wait3A_322] : memref<8x104x64xf32, #tpu.memory_space<vmem>> -> memref<1x104x64xf32, #tpu.memory_space<vmem>>
      %dma_wait3A_324 = tpu.memref_squeeze %dma_wait3A_323 : memref<1x104x64xf32, #tpu.memory_space<vmem>> -> memref<104x64xf32, #tpu.memory_space<vmem>>
      %dma_wait3A_325 = arith.constant 0 : i32
      %dma_wait3A_326 = tpu.memref_slice %arg5[%add3A_108, %dma_wait3A_325] : memref<256x128xi32, #tpu.memory_space<vmem>> -> memref<1x104xi32, #tpu.memory_space<vmem>>
      %dma_wait3A_327 = tpu.memref_squeeze %dma_wait3A_326 : memref<1x104xi32, #tpu.memory_space<vmem>> -> memref<104xi32, #tpu.memory_space<vmem>>
      %dma_wait3A_328 = arith.constant 0 : i32
      %dma_wait3A_329 = arith.constant 0 : i32
      %dma_wait3A_330 = tpu.memref_slice %arg3[%dma_wait3A_328, %dma_wait3A_329] : memref<1048576x64xf32, #tpu.memory_space<hbm>> -> memref<1048576x64xf32, #tpu.memory_space<hbm>>
      tpu.wait_indirect_dma semaphore(%arg7 : memref<!tpu.dma_semaphore, #tpu.memory_space<semaphore_mem>>) src(%dma_wait3A_330 : memref<1048576x64xf32, #tpu.memory_space<hbm>>) dst(%dma_wait3A_324 : memref<104x64xf32, #tpu.memory_space<vmem>>)
      %add3A_331 = arith.addi %mul3A_2, %mul3A_15 : i32
      %add3A_332 = arith.constant 6 : i32
      %add3A_333 = arith.addi %add3A_331, %add3A_332 : i32
      %dma_start3A_334 = arith.constant 6 : i32
      %dma_start3A_335 = arith.constant 0 : i32
      %dma_start3A_336 = arith.constant 0 : i32
      %dma_start3A_337 = tpu.memref_slice %arg6[%dma_start3A_334, %dma_start3A_335, %dma_start3A_336] : memref<8x104x64xf32, #tpu.memory_space<vmem>> -> memref<1x104x64xf32, #tpu.memory_space<vmem>>
      %dma_start3A_338 = tpu.memref_squeeze %dma_start3A_337 : memref<1x104x64xf32, #tpu.memory_space<vmem>> -> memref<104x64xf32, #tpu.memory_space<vmem>>
      %dma_start3A_339 = arith.constant 0 : i32
      %dma_start3A_340 = arith.constant 0 : i32
      %dma_start3A_341 = tpu.memref_slice %arg4[%add3A_333, %dma_start3A_339, %dma_start3A_340] : memref<4096x200x64xf32, #tpu.memory_space<hbm>> -> memref<1x104x64xf32, #tpu.memory_space<hbm>>
      %dma_start3A_342 = tpu.memref_squeeze %dma_start3A_341 : memref<1x104x64xf32, #tpu.memory_space<hbm>> -> memref<104x64xf32, #tpu.memory_space<hbm>>
      %dma_start3A_343 = arith.constant 0 : i32
      %dma_start3A_344 = arith.constant 0 : i32
      %dma_start3A_345 = tpu.memref_slice %arg4[%add3A_333, %dma_start3A_343, %dma_start3A_344] : memref<4096x200x64xf32, #tpu.memory_space<hbm>> -> memref<1x104x64xf32, #tpu.memory_space<hbm>>
      %dma_start3A_346 = tpu.memref_squeeze %dma_start3A_345 : memref<1x104x64xf32, #tpu.memory_space<hbm>> -> memref<104x64xf32, #tpu.memory_space<hbm>>
      %dma_start3A_347 = arith.constant 0 : i32
      %dma_start3A_348 = arith.constant 0 : i32
      %dma_start3A_349 = tpu.memref_slice %arg6[%dma_start3A_334, %dma_start3A_347, %dma_start3A_348] : memref<8x104x64xf32, #tpu.memory_space<vmem>> -> memref<1x104x64xf32, #tpu.memory_space<vmem>>
      %dma_start3A_350 = tpu.memref_squeeze %dma_start3A_349 : memref<1x104x64xf32, #tpu.memory_space<vmem>> -> memref<104x64xf32, #tpu.memory_space<vmem>>
      tpu.enqueue_dma source(%dma_start3A_350 : memref<104x64xf32, #tpu.memory_space<vmem>>) target(%dma_start3A_346 : memref<104x64xf32, #tpu.memory_space<hbm>>) target_semaphore(%arg8 : memref<!tpu.dma_semaphore, #tpu.memory_space<semaphore_mem>>)
      %dma_wait3A_351 = arith.constant 7 : i32
      %dma_wait3A_352 = arith.constant 0 : i32
      %dma_wait3A_353 = arith.constant 0 : i32
      %dma_wait3A_354 = tpu.memref_slice %arg6[%dma_wait3A_351, %dma_wait3A_352, %dma_wait3A_353] : memref<8x104x64xf32, #tpu.memory_space<vmem>> -> memref<1x104x64xf32, #tpu.memory_space<vmem>>
      %dma_wait3A_355 = tpu.memref_squeeze %dma_wait3A_354 : memref<1x104x64xf32, #tpu.memory_space<vmem>> -> memref<104x64xf32, #tpu.memory_space<vmem>>
      %dma_wait3A_356 = arith.constant 0 : i32
      %dma_wait3A_357 = tpu.memref_slice %arg5[%add3A_123, %dma_wait3A_356] : memref<256x128xi32, #tpu.memory_space<vmem>> -> memref<1x104xi32, #tpu.memory_space<vmem>>
      %dma_wait3A_358 = tpu.memref_squeeze %dma_wait3A_357 : memref<1x104xi32, #tpu.memory_space<vmem>> -> memref<104xi32, #tpu.memory_space<vmem>>
      %dma_wait3A_359 = arith.constant 0 : i32
      %dma_wait3A_360 = arith.constant 0 : i32
      %dma_wait3A_361 = tpu.memref_slice %arg3[%dma_wait3A_359, %dma_wait3A_360] : memref<1048576x64xf32, #tpu.memory_space<hbm>> -> memref<1048576x64xf32, #tpu.memory_space<hbm>>
      tpu.wait_indirect_dma semaphore(%arg7 : memref<!tpu.dma_semaphore, #tpu.memory_space<semaphore_mem>>) src(%dma_wait3A_361 : memref<1048576x64xf32, #tpu.memory_space<hbm>>) dst(%dma_wait3A_355 : memref<104x64xf32, #tpu.memory_space<vmem>>)
      %add3A_362 = arith.addi %mul3A_2, %mul3A_15 : i32
      %add3A_363 = arith.constant 7 : i32
      %add3A_364 = arith.addi %add3A_362, %add3A_363 : i32
      %dma_start3A_365 = arith.constant 7 : i32
      %dma_start3A_366 = arith.constant 0 : i32
      %dma_start3A_367 = arith.constant 0 : i32
      %dma_start3A_368 = tpu.memref_slice %arg6[%dma_start3A_365, %dma_start3A_366, %dma_start3A_367] : memref<8x104x64xf32, #tpu.memory_space<vmem>> -> memref<1x104x64xf32, #tpu.memory_space<vmem>>
      %dma_start3A_369 = tpu.memref_squeeze %dma_start3A_368 : memref<1x104x64xf32, #tpu.memory_space<vmem>> -> memref<104x64xf32, #tpu.memory_space<vmem>>
      %dma_start3A_370 = arith.constant 0 : i32
      %dma_start3A_371 = arith.constant 0 : i32
      %dma_start3A_372 = tpu.memref_slice %arg4[%add3A_364, %dma_start3A_370, %dma_start3A_371] : memref<4096x200x64xf32, #tpu.memory_space<hbm>> -> memref<1x104x64xf32, #tpu.memory_space<hbm>>
      %dma_start3A_373 = tpu.memref_squeeze %dma_start3A_372 : memref<1x104x64xf32, #tpu.memory_space<hbm>> -> memref<104x64xf32, #tpu.memory_space<hbm>>
      %dma_start3A_374 = arith.constant 0 : i32
      %dma_start3A_375 = arith.constant 0 : i32
      %dma_start3A_376 = tpu.memref_slice %arg4[%add3A_364, %dma_start3A_374, %dma_start3A_375] : memref<4096x200x64xf32, #tpu.memory_space<hbm>> -> memref<1x104x64xf32, #tpu.memory_space<hbm>>
      %dma_start3A_377 = tpu.memref_squeeze %dma_start3A_376 : memref<1x104x64xf32, #tpu.memory_space<hbm>> -> memref<104x64xf32, #tpu.memory_space<hbm>>
      %dma_start3A_378 = arith.constant 0 : i32
      %dma_start3A_379 = arith.constant 0 : i32
      %dma_start3A_380 = tpu.memref_slice %arg6[%dma_start3A_365, %dma_start3A_378, %dma_start3A_379] : memref<8x104x64xf32, #tpu.memory_space<vmem>> -> memref<1x104x64xf32, #tpu.memory_space<vmem>>
      %dma_start3A_381 = tpu.memref_squeeze %dma_start3A_380 : memref<1x104x64xf32, #tpu.memory_space<vmem>> -> memref<104x64xf32, #tpu.memory_space<vmem>>
      tpu.enqueue_dma source(%dma_start3A_381 : memref<104x64xf32, #tpu.memory_space<vmem>>) target(%dma_start3A_377 : memref<104x64xf32, #tpu.memory_space<hbm>>) target_semaphore(%arg8 : memref<!tpu.dma_semaphore, #tpu.memory_space<semaphore_mem>>)
      %dma_wait3A_382 = arith.constant 0 : i32
      %dma_wait3A_383 = arith.constant 0 : i32
      %dma_wait3A_384 = arith.constant 0 : i32
      %dma_wait3A_385 = tpu.memref_slice %arg6[%dma_wait3A_382, %dma_wait3A_383, %dma_wait3A_384] : memref<8x104x64xf32, #tpu.memory_space<vmem>> -> memref<1x104x64xf32, #tpu.memory_space<vmem>>
      %dma_wait3A_386 = tpu.memref_squeeze %dma_wait3A_385 : memref<1x104x64xf32, #tpu.memory_space<vmem>> -> memref<104x64xf32, #tpu.memory_space<vmem>>
      %dma_wait3A_387 = arith.constant 0 : i32
      %dma_wait3A_388 = arith.constant 0 : i32
      %dma_wait3A_389 = tpu.memref_slice %arg4[%add3A_147, %dma_wait3A_387, %dma_wait3A_388] : memref<4096x200x64xf32, #tpu.memory_space<hbm>> -> memref<1x104x64xf32, #tpu.memory_space<hbm>>
      %dma_wait3A_390 = tpu.memref_squeeze %dma_wait3A_389 : memref<1x104x64xf32, #tpu.memory_space<hbm>> -> memref<104x64xf32, #tpu.memory_space<hbm>>
      %dma_wait3A_391 = arith.constant 0 : i32
      %dma_wait3A_392 = arith.constant 0 : i32
      %dma_wait3A_393 = tpu.memref_slice %arg4[%add3A_147, %dma_wait3A_391, %dma_wait3A_392] : memref<4096x200x64xf32, #tpu.memory_space<hbm>> -> memref<1x104x64xf32, #tpu.memory_space<hbm>>
      %dma_wait3A_394 = tpu.memref_squeeze %dma_wait3A_393 : memref<1x104x64xf32, #tpu.memory_space<hbm>> -> memref<104x64xf32, #tpu.memory_space<hbm>>
      %dma_wait3A_395 = arith.constant 0 : i32
      %dma_wait3A_396 = arith.constant 0 : i32
      %dma_wait3A_397 = tpu.memref_slice %arg6[%dma_wait3A_382, %dma_wait3A_395, %dma_wait3A_396] : memref<8x104x64xf32, #tpu.memory_space<vmem>> -> memref<1x104x64xf32, #tpu.memory_space<vmem>>
      %dma_wait3A_398 = tpu.memref_squeeze %dma_wait3A_397 : memref<1x104x64xf32, #tpu.memory_space<vmem>> -> memref<104x64xf32, #tpu.memory_space<vmem>>
      tpu.wait_dma2 semaphore(%arg8 : memref<!tpu.dma_semaphore, #tpu.memory_space<semaphore_mem>>) src(%dma_wait3A_398 : memref<104x64xf32, #tpu.memory_space<vmem>>) dst(%dma_wait3A_394 : memref<104x64xf32, #tpu.memory_space<hbm>>)
      %dma_wait3A_399 = arith.constant 1 : i32
      %dma_wait3A_400 = arith.constant 0 : i32
      %dma_wait3A_401 = arith.constant 0 : i32
      %dma_wait3A_402 = tpu.memref_slice %arg6[%dma_wait3A_399, %dma_wait3A_400, %dma_wait3A_401] : memref<8x104x64xf32, #tpu.memory_space<vmem>> -> memref<1x104x64xf32, #tpu.memory_space<vmem>>
      %dma_wait3A_403 = tpu.memref_squeeze %dma_wait3A_402 : memref<1x104x64xf32, #tpu.memory_space<vmem>> -> memref<104x64xf32, #tpu.memory_space<vmem>>
      %dma_wait3A_404 = arith.constant 0 : i32
      %dma_wait3A_405 = arith.constant 0 : i32
      %dma_wait3A_406 = tpu.memref_slice %arg4[%add3A_178, %dma_wait3A_404, %dma_wait3A_405] : memref<4096x200x64xf32, #tpu.memory_space<hbm>> -> memref<1x104x64xf32, #tpu.memory_space<hbm>>
      %dma_wait3A_407 = tpu.memref_squeeze %dma_wait3A_406 : memref<1x104x64xf32, #tpu.memory_space<hbm>> -> memref<104x64xf32, #tpu.memory_space<hbm>>
      %dma_wait3A_408 = arith.constant 0 : i32
      %dma_wait3A_409 = arith.constant 0 : i32
      %dma_wait3A_410 = tpu.memref_slice %arg4[%add3A_178, %dma_wait3A_408, %dma_wait3A_409] : memref<4096x200x64xf32, #tpu.memory_space<hbm>> -> memref<1x104x64xf32, #tpu.memory_space<hbm>>
      %dma_wait3A_411 = tpu.memref_squeeze %dma_wait3A_410 : memref<1x104x64xf32, #tpu.memory_space<hbm>> -> memref<104x64xf32, #tpu.memory_space<hbm>>
      %dma_wait3A_412 = arith.constant 0 : i32
      %dma_wait3A_413 = arith.constant 0 : i32
      %dma_wait3A_414 = tpu.memref_slice %arg6[%dma_wait3A_399, %dma_wait3A_412, %dma_wait3A_413] : memref<8x104x64xf32, #tpu.memory_space<vmem>> -> memref<1x104x64xf32, #tpu.memory_space<vmem>>
      %dma_wait3A_415 = tpu.memref_squeeze %dma_wait3A_414 : memref<1x104x64xf32, #tpu.memory_space<vmem>> -> memref<104x64xf32, #tpu.memory_space<vmem>>
      tpu.wait_dma2 semaphore(%arg8 : memref<!tpu.dma_semaphore, #tpu.memory_space<semaphore_mem>>) src(%dma_wait3A_415 : memref<104x64xf32, #tpu.memory_space<vmem>>) dst(%dma_wait3A_411 : memref<104x64xf32, #tpu.memory_space<hbm>>)
      %dma_wait3A_416 = arith.constant 2 : i32
      %dma_wait3A_417 = arith.constant 0 : i32
      %dma_wait3A_418 = arith.constant 0 : i32
      %dma_wait3A_419 = tpu.memref_slice %arg6[%dma_wait3A_416, %dma_wait3A_417, %dma_wait3A_418] : memref<8x104x64xf32, #tpu.memory_space<vmem>> -> memref<1x104x64xf32, #tpu.memory_space<vmem>>
      %dma_wait3A_420 = tpu.memref_squeeze %dma_wait3A_419 : memref<1x104x64xf32, #tpu.memory_space<vmem>> -> memref<104x64xf32, #tpu.memory_space<vmem>>
      %dma_wait3A_421 = arith.constant 0 : i32
      %dma_wait3A_422 = arith.constant 0 : i32
      %dma_wait3A_423 = tpu.memref_slice %arg4[%add3A_209, %dma_wait3A_421, %dma_wait3A_422] : memref<4096x200x64xf32, #tpu.memory_space<hbm>> -> memref<1x104x64xf32, #tpu.memory_space<hbm>>
      %dma_wait3A_424 = tpu.memref_squeeze %dma_wait3A_423 : memref<1x104x64xf32, #tpu.memory_space<hbm>> -> memref<104x64xf32, #tpu.memory_space<hbm>>
      %dma_wait3A_425 = arith.constant 0 : i32
      %dma_wait3A_426 = arith.constant 0 : i32
      %dma_wait3A_427 = tpu.memref_slice %arg4[%add3A_209, %dma_wait3A_425, %dma_wait3A_426] : memref<4096x200x64xf32, #tpu.memory_space<hbm>> -> memref<1x104x64xf32, #tpu.memory_space<hbm>>
      %dma_wait3A_428 = tpu.memref_squeeze %dma_wait3A_427 : memref<1x104x64xf32, #tpu.memory_space<hbm>> -> memref<104x64xf32, #tpu.memory_space<hbm>>
      %dma_wait3A_429 = arith.constant 0 : i32
      %dma_wait3A_430 = arith.constant 0 : i32
      %dma_wait3A_431 = tpu.memref_slice %arg6[%dma_wait3A_416, %dma_wait3A_429, %dma_wait3A_430] : memref<8x104x64xf32, #tpu.memory_space<vmem>> -> memref<1x104x64xf32, #tpu.memory_space<vmem>>
      %dma_wait3A_432 = tpu.memref_squeeze %dma_wait3A_431 : memref<1x104x64xf32, #tpu.memory_space<vmem>> -> memref<104x64xf32, #tpu.memory_space<vmem>>
      tpu.wait_dma2 semaphore(%arg8 : memref<!tpu.dma_semaphore, #tpu.memory_space<semaphore_mem>>) src(%dma_wait3A_432 : memref<104x64xf32, #tpu.memory_space<vmem>>) dst(%dma_wait3A_428 : memref<104x64xf32, #tpu.memory_space<hbm>>)
      %dma_wait3A_433 = arith.constant 3 : i32
      %dma_wait3A_434 = arith.constant 0 : i32
      %dma_wait3A_435 = arith.constant 0 : i32
      %dma_wait3A_436 = tpu.memref_slice %arg6[%dma_wait3A_433, %dma_wait3A_434, %dma_wait3A_435] : memref<8x104x64xf32, #tpu.memory_space<vmem>> -> memref<1x104x64xf32, #tpu.memory_space<vmem>>
      %dma_wait3A_437 = tpu.memref_squeeze %dma_wait3A_436 : memref<1x104x64xf32, #tpu.memory_space<vmem>> -> memref<104x64xf32, #tpu.memory_space<vmem>>
      %dma_wait3A_438 = arith.constant 0 : i32
      %dma_wait3A_439 = arith.constant 0 : i32
      %dma_wait3A_440 = tpu.memref_slice %arg4[%add3A_240, %dma_wait3A_438, %dma_wait3A_439] : memref<4096x200x64xf32, #tpu.memory_space<hbm>> -> memref<1x104x64xf32, #tpu.memory_space<hbm>>
      %dma_wait3A_441 = tpu.memref_squeeze %dma_wait3A_440 : memref<1x104x64xf32, #tpu.memory_space<hbm>> -> memref<104x64xf32, #tpu.memory_space<hbm>>
      %dma_wait3A_442 = arith.constant 0 : i32
      %dma_wait3A_443 = arith.constant 0 : i32
      %dma_wait3A_444 = tpu.memref_slice %arg4[%add3A_240, %dma_wait3A_442, %dma_wait3A_443] : memref<4096x200x64xf32, #tpu.memory_space<hbm>> -> memref<1x104x64xf32, #tpu.memory_space<hbm>>
      %dma_wait3A_445 = tpu.memref_squeeze %dma_wait3A_444 : memref<1x104x64xf32, #tpu.memory_space<hbm>> -> memref<104x64xf32, #tpu.memory_space<hbm>>
      %dma_wait3A_446 = arith.constant 0 : i32
      %dma_wait3A_447 = arith.constant 0 : i32
      %dma_wait3A_448 = tpu.memref_slice %arg6[%dma_wait3A_433, %dma_wait3A_446, %dma_wait3A_447] : memref<8x104x64xf32, #tpu.memory_space<vmem>> -> memref<1x104x64xf32, #tpu.memory_space<vmem>>
      %dma_wait3A_449 = tpu.memref_squeeze %dma_wait3A_448 : memref<1x104x64xf32, #tpu.memory_space<vmem>> -> memref<104x64xf32, #tpu.memory_space<vmem>>
      tpu.wait_dma2 semaphore(%arg8 : memref<!tpu.dma_semaphore, #tpu.memory_space<semaphore_mem>>) src(%dma_wait3A_449 : memref<104x64xf32, #tpu.memory_space<vmem>>) dst(%dma_wait3A_445 : memref<104x64xf32, #tpu.memory_space<hbm>>)
      %dma_wait3A_450 = arith.constant 4 : i32
      %dma_wait3A_451 = arith.constant 0 : i32
      %dma_wait3A_452 = arith.constant 0 : i32
      %dma_wait3A_453 = tpu.memref_slice %arg6[%dma_wait3A_450, %dma_wait3A_451, %dma_wait3A_452] : memref<8x104x64xf32, #tpu.memory_space<vmem>> -> memref<1x104x64xf32, #tpu.memory_space<vmem>>
      %dma_wait3A_454 = tpu.memref_squeeze %dma_wait3A_453 : memref<1x104x64xf32, #tpu.memory_space<vmem>> -> memref<104x64xf32, #tpu.memory_space<vmem>>
      %dma_wait3A_455 = arith.constant 0 : i32
      %dma_wait3A_456 = arith.constant 0 : i32
      %dma_wait3A_457 = tpu.memref_slice %arg4[%add3A_271, %dma_wait3A_455, %dma_wait3A_456] : memref<4096x200x64xf32, #tpu.memory_space<hbm>> -> memref<1x104x64xf32, #tpu.memory_space<hbm>>
      %dma_wait3A_458 = tpu.memref_squeeze %dma_wait3A_457 : memref<1x104x64xf32, #tpu.memory_space<hbm>> -> memref<104x64xf32, #tpu.memory_space<hbm>>
      %dma_wait3A_459 = arith.constant 0 : i32
      %dma_wait3A_460 = arith.constant 0 : i32
      %dma_wait3A_461 = tpu.memref_slice %arg4[%add3A_271, %dma_wait3A_459, %dma_wait3A_460] : memref<4096x200x64xf32, #tpu.memory_space<hbm>> -> memref<1x104x64xf32, #tpu.memory_space<hbm>>
      %dma_wait3A_462 = tpu.memref_squeeze %dma_wait3A_461 : memref<1x104x64xf32, #tpu.memory_space<hbm>> -> memref<104x64xf32, #tpu.memory_space<hbm>>
      %dma_wait3A_463 = arith.constant 0 : i32
      %dma_wait3A_464 = arith.constant 0 : i32
      %dma_wait3A_465 = tpu.memref_slice %arg6[%dma_wait3A_450, %dma_wait3A_463, %dma_wait3A_464] : memref<8x104x64xf32, #tpu.memory_space<vmem>> -> memref<1x104x64xf32, #tpu.memory_space<vmem>>
      %dma_wait3A_466 = tpu.memref_squeeze %dma_wait3A_465 : memref<1x104x64xf32, #tpu.memory_space<vmem>> -> memref<104x64xf32, #tpu.memory_space<vmem>>
      tpu.wait_dma2 semaphore(%arg8 : memref<!tpu.dma_semaphore, #tpu.memory_space<semaphore_mem>>) src(%dma_wait3A_466 : memref<104x64xf32, #tpu.memory_space<vmem>>) dst(%dma_wait3A_462 : memref<104x64xf32, #tpu.memory_space<hbm>>)
      %dma_wait3A_467 = arith.constant 5 : i32
      %dma_wait3A_468 = arith.constant 0 : i32
      %dma_wait3A_469 = arith.constant 0 : i32
      %dma_wait3A_470 = tpu.memref_slice %arg6[%dma_wait3A_467, %dma_wait3A_468, %dma_wait3A_469] : memref<8x104x64xf32, #tpu.memory_space<vmem>> -> memref<1x104x64xf32, #tpu.memory_space<vmem>>
      %dma_wait3A_471 = tpu.memref_squeeze %dma_wait3A_470 : memref<1x104x64xf32, #tpu.memory_space<vmem>> -> memref<104x64xf32, #tpu.memory_space<vmem>>
      %dma_wait3A_472 = arith.constant 0 : i32
      %dma_wait3A_473 = arith.constant 0 : i32
      %dma_wait3A_474 = tpu.memref_slice %arg4[%add3A_302, %dma_wait3A_472, %dma_wait3A_473] : memref<4096x200x64xf32, #tpu.memory_space<hbm>> -> memref<1x104x64xf32, #tpu.memory_space<hbm>>
      %dma_wait3A_475 = tpu.memref_squeeze %dma_wait3A_474 : memref<1x104x64xf32, #tpu.memory_space<hbm>> -> memref<104x64xf32, #tpu.memory_space<hbm>>
      %dma_wait3A_476 = arith.constant 0 : i32
      %dma_wait3A_477 = arith.constant 0 : i32
      %dma_wait3A_478 = tpu.memref_slice %arg4[%add3A_302, %dma_wait3A_476, %dma_wait3A_477] : memref<4096x200x64xf32, #tpu.memory_space<hbm>> -> memref<1x104x64xf32, #tpu.memory_space<hbm>>
      %dma_wait3A_479 = tpu.memref_squeeze %dma_wait3A_478 : memref<1x104x64xf32, #tpu.memory_space<hbm>> -> memref<104x64xf32, #tpu.memory_space<hbm>>
      %dma_wait3A_480 = arith.constant 0 : i32
      %dma_wait3A_481 = arith.constant 0 : i32
      %dma_wait3A_482 = tpu.memref_slice %arg6[%dma_wait3A_467, %dma_wait3A_480, %dma_wait3A_481] : memref<8x104x64xf32, #tpu.memory_space<vmem>> -> memref<1x104x64xf32, #tpu.memory_space<vmem>>
      %dma_wait3A_483 = tpu.memref_squeeze %dma_wait3A_482 : memref<1x104x64xf32, #tpu.memory_space<vmem>> -> memref<104x64xf32, #tpu.memory_space<vmem>>
      tpu.wait_dma2 semaphore(%arg8 : memref<!tpu.dma_semaphore, #tpu.memory_space<semaphore_mem>>) src(%dma_wait3A_483 : memref<104x64xf32, #tpu.memory_space<vmem>>) dst(%dma_wait3A_479 : memref<104x64xf32, #tpu.memory_space<hbm>>)
      %dma_wait3A_484 = arith.constant 6 : i32
      %dma_wait3A_485 = arith.constant 0 : i32
      %dma_wait3A_486 = arith.constant 0 : i32
      %dma_wait3A_487 = tpu.memref_slice %arg6[%dma_wait3A_484, %dma_wait3A_485, %dma_wait3A_486] : memref<8x104x64xf32, #tpu.memory_space<vmem>> -> memref<1x104x64xf32, #tpu.memory_space<vmem>>
      %dma_wait3A_488 = tpu.memref_squeeze %dma_wait3A_487 : memref<1x104x64xf32, #tpu.memory_space<vmem>> -> memref<104x64xf32, #tpu.memory_space<vmem>>
      %dma_wait3A_489 = arith.constant 0 : i32
      %dma_wait3A_490 = arith.constant 0 : i32
      %dma_wait3A_491 = tpu.memref_slice %arg4[%add3A_333, %dma_wait3A_489, %dma_wait3A_490] : memref<4096x200x64xf32, #tpu.memory_space<hbm>> -> memref<1x104x64xf32, #tpu.memory_space<hbm>>
      %dma_wait3A_492 = tpu.memref_squeeze %dma_wait3A_491 : memref<1x104x64xf32, #tpu.memory_space<hbm>> -> memref<104x64xf32, #tpu.memory_space<hbm>>
      %dma_wait3A_493 = arith.constant 0 : i32
      %dma_wait3A_494 = arith.constant 0 : i32
      %dma_wait3A_495 = tpu.memref_slice %arg4[%add3A_333, %dma_wait3A_493, %dma_wait3A_494] : memref<4096x200x64xf32, #tpu.memory_space<hbm>> -> memref<1x104x64xf32, #tpu.memory_space<hbm>>
      %dma_wait3A_496 = tpu.memref_squeeze %dma_wait3A_495 : memref<1x104x64xf32, #tpu.memory_space<hbm>> -> memref<104x64xf32, #tpu.memory_space<hbm>>
      %dma_wait3A_497 = arith.constant 0 : i32
      %dma_wait3A_498 = arith.constant 0 : i32
      %dma_wait3A_499 = tpu.memref_slice %arg6[%dma_wait3A_484, %dma_wait3A_497, %dma_wait3A_498] : memref<8x104x64xf32, #tpu.memory_space<vmem>> -> memref<1x104x64xf32, #tpu.memory_space<vmem>>
      %dma_wait3A_500 = tpu.memref_squeeze %dma_wait3A_499 : memref<1x104x64xf32, #tpu.memory_space<vmem>> -> memref<104x64xf32, #tpu.memory_space<vmem>>
      tpu.wait_dma2 semaphore(%arg8 : memref<!tpu.dma_semaphore, #tpu.memory_space<semaphore_mem>>) src(%dma_wait3A_500 : memref<104x64xf32, #tpu.memory_space<vmem>>) dst(%dma_wait3A_496 : memref<104x64xf32, #tpu.memory_space<hbm>>)
      %dma_wait3A_501 = arith.constant 7 : i32
      %dma_wait3A_502 = arith.constant 0 : i32
      %dma_wait3A_503 = arith.constant 0 : i32
      %dma_wait3A_504 = tpu.memref_slice %arg6[%dma_wait3A_501, %dma_wait3A_502, %dma_wait3A_503] : memref<8x104x64xf32, #tpu.memory_space<vmem>> -> memref<1x104x64xf32, #tpu.memory_space<vmem>>
      %dma_wait3A_505 = tpu.memref_squeeze %dma_wait3A_504 : memref<1x104x64xf32, #tpu.memory_space<vmem>> -> memref<104x64xf32, #tpu.memory_space<vmem>>
      %dma_wait3A_506 = arith.constant 0 : i32
      %dma_wait3A_507 = arith.constant 0 : i32
      %dma_wait3A_508 = tpu.memref_slice %arg4[%add3A_364, %dma_wait3A_506, %dma_wait3A_507] : memref<4096x200x64xf32, #tpu.memory_space<hbm>> -> memref<1x104x64xf32, #tpu.memory_space<hbm>>
      %dma_wait3A_509 = tpu.memref_squeeze %dma_wait3A_508 : memref<1x104x64xf32, #tpu.memory_space<hbm>> -> memref<104x64xf32, #tpu.memory_space<hbm>>
      %dma_wait3A_510 = arith.constant 0 : i32
      %dma_wait3A_511 = arith.constant 0 : i32
      %dma_wait3A_512 = tpu.memref_slice %arg4[%add3A_364, %dma_wait3A_510, %dma_wait3A_511] : memref<4096x200x64xf32, #tpu.memory_space<hbm>> -> memref<1x104x64xf32, #tpu.memory_space<hbm>>
      %dma_wait3A_513 = tpu.memref_squeeze %dma_wait3A_512 : memref<1x104x64xf32, #tpu.memory_space<hbm>> -> memref<104x64xf32, #tpu.memory_space<hbm>>
      %dma_wait3A_514 = arith.constant 0 : i32
      %dma_wait3A_515 = arith.constant 0 : i32
      %dma_wait3A_516 = tpu.memref_slice %arg6[%dma_wait3A_501, %dma_wait3A_514, %dma_wait3A_515] : memref<8x104x64xf32, #tpu.memory_space<vmem>> -> memref<1x104x64xf32, #tpu.memory_space<vmem>>
      %dma_wait3A_517 = tpu.memref_squeeze %dma_wait3A_516 : memref<1x104x64xf32, #tpu.memory_space<vmem>> -> memref<104x64xf32, #tpu.memory_space<vmem>>
      tpu.wait_dma2 semaphore(%arg8 : memref<!tpu.dma_semaphore, #tpu.memory_space<semaphore_mem>>) src(%dma_wait3A_517 : memref<104x64xf32, #tpu.memory_space<vmem>>) dst(%dma_wait3A_513 : memref<104x64xf32, #tpu.memory_space<hbm>>)
    }
    %scan3A_7 = arith.constant 16 : i32
    %scan3A_8 = arith.constant 0 : i32
    %scan3A_9 = arith.constant 16 : i32
    %scan3A_10 = arith.addi %scan3A_8, %scan3A_9 : i32
    %scan3A_11 = arith.constant 1 : i32
    scf.for %scan3A_13 = %scan3A_8 to %scan3A_10 step %scan3A_11  : i32 {
      %mul3A_14 = arith.constant 8 : i32
      %mul3A_15 = arith.muli %scan3A_13, %mul3A_14 : i32
      %add3A_16 = arith.constant 128 : i32
      %add3A_17 = arith.addi %add3A_16, %mul3A_15 : i32
      %add3A_18 = arith.constant 0 : i32
      %add3A_19 = arith.addi %add3A_17, %add3A_18 : i32
      %dma_start3A = arith.constant 0 : i32
      %dma_start3A_20 = arith.constant 0 : i32
      %dma_start3A_21 = arith.constant 0 : i32
      %dma_start3A_22 = tpu.memref_slice %arg6[%dma_start3A, %dma_start3A_20, %dma_start3A_21] : memref<8x104x64xf32, #tpu.memory_space<vmem>> -> memref<1x96x64xf32, #tpu.memory_space<vmem>>
      %dma_start3A_23 = tpu.memref_squeeze %dma_start3A_22 : memref<1x96x64xf32, #tpu.memory_space<vmem>> -> memref<96x64xf32, #tpu.memory_space<vmem>>
      %dma_start3A_24 = arith.constant 0 : i32
      %dma_start3A_25 = tpu.memref_slice %arg5[%add3A_19, %dma_start3A_24] : memref<256x128xi32, #tpu.memory_space<vmem>> -> memref<1x96xi32, #tpu.memory_space<vmem>>
      %dma_start3A_26 = tpu.memref_squeeze %dma_start3A_25 : memref<1x96xi32, #tpu.memory_space<vmem>> -> memref<96xi32, #tpu.memory_space<vmem>>
      %dma_start3A_27 = arith.constant 0 : i32
      %dma_start3A_28 = arith.constant 0 : i32
      %dma_start3A_29 = tpu.memref_slice %arg3[%dma_start3A_27, %dma_start3A_28] : memref<1048576x64xf32, #tpu.memory_space<hbm>> -> memref<1048576x64xf32, #tpu.memory_space<hbm>>
      tpu.enqueue_indirect_dma source(%dma_start3A_29 : memref<1048576x64xf32, #tpu.memory_space<hbm>>) target(%dma_start3A_23 : memref<96x64xf32, #tpu.memory_space<vmem>>) offsets(%dma_start3A_26 : memref<96xi32, #tpu.memory_space<vmem>>) semaphore(%arg7 : memref<!tpu.dma_semaphore, #tpu.memory_space<semaphore_mem>>)
      %add3A_30 = arith.constant 128 : i32
      %add3A_31 = arith.addi %add3A_30, %mul3A_15 : i32
      %add3A_32 = arith.constant 1 : i32
      %add3A_33 = arith.addi %add3A_31, %add3A_32 : i32
      %dma_start3A_34 = arith.constant 1 : i32
      %dma_start3A_35 = arith.constant 0 : i32
      %dma_start3A_36 = arith.constant 0 : i32
      %dma_start3A_37 = tpu.memref_slice %arg6[%dma_start3A_34, %dma_start3A_35, %dma_start3A_36] : memref<8x104x64xf32, #tpu.memory_space<vmem>> -> memref<1x96x64xf32, #tpu.memory_space<vmem>>
      %dma_start3A_38 = tpu.memref_squeeze %dma_start3A_37 : memref<1x96x64xf32, #tpu.memory_space<vmem>> -> memref<96x64xf32, #tpu.memory_space<vmem>>
      %dma_start3A_39 = arith.constant 0 : i32
      %dma_start3A_40 = tpu.memref_slice %arg5[%add3A_33, %dma_start3A_39] : memref<256x128xi32, #tpu.memory_space<vmem>> -> memref<1x96xi32, #tpu.memory_space<vmem>>
      %dma_start3A_41 = tpu.memref_squeeze %dma_start3A_40 : memref<1x96xi32, #tpu.memory_space<vmem>> -> memref<96xi32, #tpu.memory_space<vmem>>
      %dma_start3A_42 = arith.constant 0 : i32
      %dma_start3A_43 = arith.constant 0 : i32
      %dma_start3A_44 = tpu.memref_slice %arg3[%dma_start3A_42, %dma_start3A_43] : memref<1048576x64xf32, #tpu.memory_space<hbm>> -> memref<1048576x64xf32, #tpu.memory_space<hbm>>
      tpu.enqueue_indirect_dma source(%dma_start3A_44 : memref<1048576x64xf32, #tpu.memory_space<hbm>>) target(%dma_start3A_38 : memref<96x64xf32, #tpu.memory_space<vmem>>) offsets(%dma_start3A_41 : memref<96xi32, #tpu.memory_space<vmem>>) semaphore(%arg7 : memref<!tpu.dma_semaphore, #tpu.memory_space<semaphore_mem>>)
      %add3A_45 = arith.constant 128 : i32
      %add3A_46 = arith.addi %add3A_45, %mul3A_15 : i32
      %add3A_47 = arith.constant 2 : i32
      %add3A_48 = arith.addi %add3A_46, %add3A_47 : i32
      %dma_start3A_49 = arith.constant 2 : i32
      %dma_start3A_50 = arith.constant 0 : i32
      %dma_start3A_51 = arith.constant 0 : i32
      %dma_start3A_52 = tpu.memref_slice %arg6[%dma_start3A_49, %dma_start3A_50, %dma_start3A_51] : memref<8x104x64xf32, #tpu.memory_space<vmem>> -> memref<1x96x64xf32, #tpu.memory_space<vmem>>
      %dma_start3A_53 = tpu.memref_squeeze %dma_start3A_52 : memref<1x96x64xf32, #tpu.memory_space<vmem>> -> memref<96x64xf32, #tpu.memory_space<vmem>>
      %dma_start3A_54 = arith.constant 0 : i32
      %dma_start3A_55 = tpu.memref_slice %arg5[%add3A_48, %dma_start3A_54] : memref<256x128xi32, #tpu.memory_space<vmem>> -> memref<1x96xi32, #tpu.memory_space<vmem>>
      %dma_start3A_56 = tpu.memref_squeeze %dma_start3A_55 : memref<1x96xi32, #tpu.memory_space<vmem>> -> memref<96xi32, #tpu.memory_space<vmem>>
      %dma_start3A_57 = arith.constant 0 : i32
      %dma_start3A_58 = arith.constant 0 : i32
      %dma_start3A_59 = tpu.memref_slice %arg3[%dma_start3A_57, %dma_start3A_58] : memref<1048576x64xf32, #tpu.memory_space<hbm>> -> memref<1048576x64xf32, #tpu.memory_space<hbm>>
      tpu.enqueue_indirect_dma source(%dma_start3A_59 : memref<1048576x64xf32, #tpu.memory_space<hbm>>) target(%dma_start3A_53 : memref<96x64xf32, #tpu.memory_space<vmem>>) offsets(%dma_start3A_56 : memref<96xi32, #tpu.memory_space<vmem>>) semaphore(%arg7 : memref<!tpu.dma_semaphore, #tpu.memory_space<semaphore_mem>>)
      %add3A_60 = arith.constant 128 : i32
      %add3A_61 = arith.addi %add3A_60, %mul3A_15 : i32
      %add3A_62 = arith.constant 3 : i32
      %add3A_63 = arith.addi %add3A_61, %add3A_62 : i32
      %dma_start3A_64 = arith.constant 3 : i32
      %dma_start3A_65 = arith.constant 0 : i32
      %dma_start3A_66 = arith.constant 0 : i32
      %dma_start3A_67 = tpu.memref_slice %arg6[%dma_start3A_64, %dma_start3A_65, %dma_start3A_66] : memref<8x104x64xf32, #tpu.memory_space<vmem>> -> memref<1x96x64xf32, #tpu.memory_space<vmem>>
      %dma_start3A_68 = tpu.memref_squeeze %dma_start3A_67 : memref<1x96x64xf32, #tpu.memory_space<vmem>> -> memref<96x64xf32, #tpu.memory_space<vmem>>
      %dma_start3A_69 = arith.constant 0 : i32
      %dma_start3A_70 = tpu.memref_slice %arg5[%add3A_63, %dma_start3A_69] : memref<256x128xi32, #tpu.memory_space<vmem>> -> memref<1x96xi32, #tpu.memory_space<vmem>>
      %dma_start3A_71 = tpu.memref_squeeze %dma_start3A_70 : memref<1x96xi32, #tpu.memory_space<vmem>> -> memref<96xi32, #tpu.memory_space<vmem>>
      %dma_start3A_72 = arith.constant 0 : i32
      %dma_start3A_73 = arith.constant 0 : i32
      %dma_start3A_74 = tpu.memref_slice %arg3[%dma_start3A_72, %dma_start3A_73] : memref<1048576x64xf32, #tpu.memory_space<hbm>> -> memref<1048576x64xf32, #tpu.memory_space<hbm>>
      tpu.enqueue_indirect_dma source(%dma_start3A_74 : memref<1048576x64xf32, #tpu.memory_space<hbm>>) target(%dma_start3A_68 : memref<96x64xf32, #tpu.memory_space<vmem>>) offsets(%dma_start3A_71 : memref<96xi32, #tpu.memory_space<vmem>>) semaphore(%arg7 : memref<!tpu.dma_semaphore, #tpu.memory_space<semaphore_mem>>)
      %add3A_75 = arith.constant 128 : i32
      %add3A_76 = arith.addi %add3A_75, %mul3A_15 : i32
      %add3A_77 = arith.constant 4 : i32
      %add3A_78 = arith.addi %add3A_76, %add3A_77 : i32
      %dma_start3A_79 = arith.constant 4 : i32
      %dma_start3A_80 = arith.constant 0 : i32
      %dma_start3A_81 = arith.constant 0 : i32
      %dma_start3A_82 = tpu.memref_slice %arg6[%dma_start3A_79, %dma_start3A_80, %dma_start3A_81] : memref<8x104x64xf32, #tpu.memory_space<vmem>> -> memref<1x96x64xf32, #tpu.memory_space<vmem>>
      %dma_start3A_83 = tpu.memref_squeeze %dma_start3A_82 : memref<1x96x64xf32, #tpu.memory_space<vmem>> -> memref<96x64xf32, #tpu.memory_space<vmem>>
      %dma_start3A_84 = arith.constant 0 : i32
      %dma_start3A_85 = tpu.memref_slice %arg5[%add3A_78, %dma_start3A_84] : memref<256x128xi32, #tpu.memory_space<vmem>> -> memref<1x96xi32, #tpu.memory_space<vmem>>
      %dma_start3A_86 = tpu.memref_squeeze %dma_start3A_85 : memref<1x96xi32, #tpu.memory_space<vmem>> -> memref<96xi32, #tpu.memory_space<vmem>>
      %dma_start3A_87 = arith.constant 0 : i32
      %dma_start3A_88 = arith.constant 0 : i32
      %dma_start3A_89 = tpu.memref_slice %arg3[%dma_start3A_87, %dma_start3A_88] : memref<1048576x64xf32, #tpu.memory_space<hbm>> -> memref<1048576x64xf32, #tpu.memory_space<hbm>>
      tpu.enqueue_indirect_dma source(%dma_start3A_89 : memref<1048576x64xf32, #tpu.memory_space<hbm>>) target(%dma_start3A_83 : memref<96x64xf32, #tpu.memory_space<vmem>>) offsets(%dma_start3A_86 : memref<96xi32, #tpu.memory_space<vmem>>) semaphore(%arg7 : memref<!tpu.dma_semaphore, #tpu.memory_space<semaphore_mem>>)
      %add3A_90 = arith.constant 128 : i32
      %add3A_91 = arith.addi %add3A_90, %mul3A_15 : i32
      %add3A_92 = arith.constant 5 : i32
      %add3A_93 = arith.addi %add3A_91, %add3A_92 : i32
      %dma_start3A_94 = arith.constant 5 : i32
      %dma_start3A_95 = arith.constant 0 : i32
      %dma_start3A_96 = arith.constant 0 : i32
      %dma_start3A_97 = tpu.memref_slice %arg6[%dma_start3A_94, %dma_start3A_95, %dma_start3A_96] : memref<8x104x64xf32, #tpu.memory_space<vmem>> -> memref<1x96x64xf32, #tpu.memory_space<vmem>>
      %dma_start3A_98 = tpu.memref_squeeze %dma_start3A_97 : memref<1x96x64xf32, #tpu.memory_space<vmem>> -> memref<96x64xf32, #tpu.memory_space<vmem>>
      %dma_start3A_99 = arith.constant 0 : i32
      %dma_start3A_100 = tpu.memref_slice %arg5[%add3A_93, %dma_start3A_99] : memref<256x128xi32, #tpu.memory_space<vmem>> -> memref<1x96xi32, #tpu.memory_space<vmem>>
      %dma_start3A_101 = tpu.memref_squeeze %dma_start3A_100 : memref<1x96xi32, #tpu.memory_space<vmem>> -> memref<96xi32, #tpu.memory_space<vmem>>
      %dma_start3A_102 = arith.constant 0 : i32
      %dma_start3A_103 = arith.constant 0 : i32
      %dma_start3A_104 = tpu.memref_slice %arg3[%dma_start3A_102, %dma_start3A_103] : memref<1048576x64xf32, #tpu.memory_space<hbm>> -> memref<1048576x64xf32, #tpu.memory_space<hbm>>
      tpu.enqueue_indirect_dma source(%dma_start3A_104 : memref<1048576x64xf32, #tpu.memory_space<hbm>>) target(%dma_start3A_98 : memref<96x64xf32, #tpu.memory_space<vmem>>) offsets(%dma_start3A_101 : memref<96xi32, #tpu.memory_space<vmem>>) semaphore(%arg7 : memref<!tpu.dma_semaphore, #tpu.memory_space<semaphore_mem>>)
      %add3A_105 = arith.constant 128 : i32
      %add3A_106 = arith.addi %add3A_105, %mul3A_15 : i32
      %add3A_107 = arith.constant 6 : i32
      %add3A_108 = arith.addi %add3A_106, %add3A_107 : i32
      %dma_start3A_109 = arith.constant 6 : i32
      %dma_start3A_110 = arith.constant 0 : i32
      %dma_start3A_111 = arith.constant 0 : i32
      %dma_start3A_112 = tpu.memref_slice %arg6[%dma_start3A_109, %dma_start3A_110, %dma_start3A_111] : memref<8x104x64xf32, #tpu.memory_space<vmem>> -> memref<1x96x64xf32, #tpu.memory_space<vmem>>
      %dma_start3A_113 = tpu.memref_squeeze %dma_start3A_112 : memref<1x96x64xf32, #tpu.memory_space<vmem>> -> memref<96x64xf32, #tpu.memory_space<vmem>>
      %dma_start3A_114 = arith.constant 0 : i32
      %dma_start3A_115 = tpu.memref_slice %arg5[%add3A_108, %dma_start3A_114] : memref<256x128xi32, #tpu.memory_space<vmem>> -> memref<1x96xi32, #tpu.memory_space<vmem>>
      %dma_start3A_116 = tpu.memref_squeeze %dma_start3A_115 : memref<1x96xi32, #tpu.memory_space<vmem>> -> memref<96xi32, #tpu.memory_space<vmem>>
      %dma_start3A_117 = arith.constant 0 : i32
      %dma_start3A_118 = arith.constant 0 : i32
      %dma_start3A_119 = tpu.memref_slice %arg3[%dma_start3A_117, %dma_start3A_118] : memref<1048576x64xf32, #tpu.memory_space<hbm>> -> memref<1048576x64xf32, #tpu.memory_space<hbm>>
      tpu.enqueue_indirect_dma source(%dma_start3A_119 : memref<1048576x64xf32, #tpu.memory_space<hbm>>) target(%dma_start3A_113 : memref<96x64xf32, #tpu.memory_space<vmem>>) offsets(%dma_start3A_116 : memref<96xi32, #tpu.memory_space<vmem>>) semaphore(%arg7 : memref<!tpu.dma_semaphore, #tpu.memory_space<semaphore_mem>>)
      %add3A_120 = arith.constant 128 : i32
      %add3A_121 = arith.addi %add3A_120, %mul3A_15 : i32
      %add3A_122 = arith.constant 7 : i32
      %add3A_123 = arith.addi %add3A_121, %add3A_122 : i32
      %dma_start3A_124 = arith.constant 7 : i32
      %dma_start3A_125 = arith.constant 0 : i32
      %dma_start3A_126 = arith.constant 0 : i32
      %dma_start3A_127 = tpu.memref_slice %arg6[%dma_start3A_124, %dma_start3A_125, %dma_start3A_126] : memref<8x104x64xf32, #tpu.memory_space<vmem>> -> memref<1x96x64xf32, #tpu.memory_space<vmem>>
      %dma_start3A_128 = tpu.memref_squeeze %dma_start3A_127 : memref<1x96x64xf32, #tpu.memory_space<vmem>> -> memref<96x64xf32, #tpu.memory_space<vmem>>
      %dma_start3A_129 = arith.constant 0 : i32
      %dma_start3A_130 = tpu.memref_slice %arg5[%add3A_123, %dma_start3A_129] : memref<256x128xi32, #tpu.memory_space<vmem>> -> memref<1x96xi32, #tpu.memory_space<vmem>>
      %dma_start3A_131 = tpu.memref_squeeze %dma_start3A_130 : memref<1x96xi32, #tpu.memory_space<vmem>> -> memref<96xi32, #tpu.memory_space<vmem>>
      %dma_start3A_132 = arith.constant 0 : i32
      %dma_start3A_133 = arith.constant 0 : i32
      %dma_start3A_134 = tpu.memref_slice %arg3[%dma_start3A_132, %dma_start3A_133] : memref<1048576x64xf32, #tpu.memory_space<hbm>> -> memref<1048576x64xf32, #tpu.memory_space<hbm>>
      tpu.enqueue_indirect_dma source(%dma_start3A_134 : memref<1048576x64xf32, #tpu.memory_space<hbm>>) target(%dma_start3A_128 : memref<96x64xf32, #tpu.memory_space<vmem>>) offsets(%dma_start3A_131 : memref<96xi32, #tpu.memory_space<vmem>>) semaphore(%arg7 : memref<!tpu.dma_semaphore, #tpu.memory_space<semaphore_mem>>)
      %dma_wait3A = arith.constant 0 : i32
      %dma_wait3A_135 = arith.constant 0 : i32
      %dma_wait3A_136 = arith.constant 0 : i32
      %dma_wait3A_137 = tpu.memref_slice %arg6[%dma_wait3A, %dma_wait3A_135, %dma_wait3A_136] : memref<8x104x64xf32, #tpu.memory_space<vmem>> -> memref<1x96x64xf32, #tpu.memory_space<vmem>>
      %dma_wait3A_138 = tpu.memref_squeeze %dma_wait3A_137 : memref<1x96x64xf32, #tpu.memory_space<vmem>> -> memref<96x64xf32, #tpu.memory_space<vmem>>
      %dma_wait3A_139 = arith.constant 0 : i32
      %dma_wait3A_140 = tpu.memref_slice %arg5[%add3A_19, %dma_wait3A_139] : memref<256x128xi32, #tpu.memory_space<vmem>> -> memref<1x96xi32, #tpu.memory_space<vmem>>
      %dma_wait3A_141 = tpu.memref_squeeze %dma_wait3A_140 : memref<1x96xi32, #tpu.memory_space<vmem>> -> memref<96xi32, #tpu.memory_space<vmem>>
      %dma_wait3A_142 = arith.constant 0 : i32
      %dma_wait3A_143 = arith.constant 0 : i32
      %dma_wait3A_144 = tpu.memref_slice %arg3[%dma_wait3A_142, %dma_wait3A_143] : memref<1048576x64xf32, #tpu.memory_space<hbm>> -> memref<1048576x64xf32, #tpu.memory_space<hbm>>
      tpu.wait_indirect_dma semaphore(%arg7 : memref<!tpu.dma_semaphore, #tpu.memory_space<semaphore_mem>>) src(%dma_wait3A_144 : memref<1048576x64xf32, #tpu.memory_space<hbm>>) dst(%dma_wait3A_138 : memref<96x64xf32, #tpu.memory_space<vmem>>)
      %add3A_145 = arith.addi %mul3A_2, %mul3A_15 : i32
      %add3A_146 = arith.constant 0 : i32
      %add3A_147 = arith.addi %add3A_145, %add3A_146 : i32
      %dma_start3A_148 = arith.constant 0 : i32
      %dma_start3A_149 = arith.constant 0 : i32
      %dma_start3A_150 = arith.constant 0 : i32
      %dma_start3A_151 = tpu.memref_slice %arg6[%dma_start3A_148, %dma_start3A_149, %dma_start3A_150] : memref<8x104x64xf32, #tpu.memory_space<vmem>> -> memref<1x96x64xf32, #tpu.memory_space<vmem>>
      %dma_start3A_152 = tpu.memref_squeeze %dma_start3A_151 : memref<1x96x64xf32, #tpu.memory_space<vmem>> -> memref<96x64xf32, #tpu.memory_space<vmem>>
      %dma_start3A_153 = arith.constant 104 : i32
      %dma_start3A_154 = arith.constant 0 : i32
      %dma_start3A_155 = tpu.memref_slice %arg4[%add3A_147, %dma_start3A_153, %dma_start3A_154] : memref<4096x200x64xf32, #tpu.memory_space<hbm>> -> memref<1x96x64xf32, #tpu.memory_space<hbm>>
      %dma_start3A_156 = tpu.memref_squeeze %dma_start3A_155 : memref<1x96x64xf32, #tpu.memory_space<hbm>> -> memref<96x64xf32, #tpu.memory_space<hbm>>
      %dma_start3A_157 = arith.constant 104 : i32
      %dma_start3A_158 = arith.constant 0 : i32
      %dma_start3A_159 = tpu.memref_slice %arg4[%add3A_147, %dma_start3A_157, %dma_start3A_158] : memref<4096x200x64xf32, #tpu.memory_space<hbm>> -> memref<1x96x64xf32, #tpu.memory_space<hbm>>
      %dma_start3A_160 = tpu.memref_squeeze %dma_start3A_159 : memref<1x96x64xf32, #tpu.memory_space<hbm>> -> memref<96x64xf32, #tpu.memory_space<hbm>>
      %dma_start3A_161 = arith.constant 0 : i32
      %dma_start3A_162 = arith.constant 0 : i32
      %dma_start3A_163 = tpu.memref_slice %arg6[%dma_start3A_148, %dma_start3A_161, %dma_start3A_162] : memref<8x104x64xf32, #tpu.memory_space<vmem>> -> memref<1x96x64xf32, #tpu.memory_space<vmem>>
      %dma_start3A_164 = tpu.memref_squeeze %dma_start3A_163 : memref<1x96x64xf32, #tpu.memory_space<vmem>> -> memref<96x64xf32, #tpu.memory_space<vmem>>
      tpu.enqueue_dma source(%dma_start3A_164 : memref<96x64xf32, #tpu.memory_space<vmem>>) target(%dma_start3A_160 : memref<96x64xf32, #tpu.memory_space<hbm>>) target_semaphore(%arg8 : memref<!tpu.dma_semaphore, #tpu.memory_space<semaphore_mem>>)
      %dma_wait3A_165 = arith.constant 1 : i32
      %dma_wait3A_166 = arith.constant 0 : i32
      %dma_wait3A_167 = arith.constant 0 : i32
      %dma_wait3A_168 = tpu.memref_slice %arg6[%dma_wait3A_165, %dma_wait3A_166, %dma_wait3A_167] : memref<8x104x64xf32, #tpu.memory_space<vmem>> -> memref<1x96x64xf32, #tpu.memory_space<vmem>>
      %dma_wait3A_169 = tpu.memref_squeeze %dma_wait3A_168 : memref<1x96x64xf32, #tpu.memory_space<vmem>> -> memref<96x64xf32, #tpu.memory_space<vmem>>
      %dma_wait3A_170 = arith.constant 0 : i32
      %dma_wait3A_171 = tpu.memref_slice %arg5[%add3A_33, %dma_wait3A_170] : memref<256x128xi32, #tpu.memory_space<vmem>> -> memref<1x96xi32, #tpu.memory_space<vmem>>
      %dma_wait3A_172 = tpu.memref_squeeze %dma_wait3A_171 : memref<1x96xi32, #tpu.memory_space<vmem>> -> memref<96xi32, #tpu.memory_space<vmem>>
      %dma_wait3A_173 = arith.constant 0 : i32
      %dma_wait3A_174 = arith.constant 0 : i32
      %dma_wait3A_175 = tpu.memref_slice %arg3[%dma_wait3A_173, %dma_wait3A_174] : memref<1048576x64xf32, #tpu.memory_space<hbm>> -> memref<1048576x64xf32, #tpu.memory_space<hbm>>
      tpu.wait_indirect_dma semaphore(%arg7 : memref<!tpu.dma_semaphore, #tpu.memory_space<semaphore_mem>>) src(%dma_wait3A_175 : memref<1048576x64xf32, #tpu.memory_space<hbm>>) dst(%dma_wait3A_169 : memref<96x64xf32, #tpu.memory_space<vmem>>)
      %add3A_176 = arith.addi %mul3A_2, %mul3A_15 : i32
      %add3A_177 = arith.constant 1 : i32
      %add3A_178 = arith.addi %add3A_176, %add3A_177 : i32
      %dma_start3A_179 = arith.constant 1 : i32
      %dma_start3A_180 = arith.constant 0 : i32
      %dma_start3A_181 = arith.constant 0 : i32
      %dma_start3A_182 = tpu.memref_slice %arg6[%dma_start3A_179, %dma_start3A_180, %dma_start3A_181] : memref<8x104x64xf32, #tpu.memory_space<vmem>> -> memref<1x96x64xf32, #tpu.memory_space<vmem>>
      %dma_start3A_183 = tpu.memref_squeeze %dma_start3A_182 : memref<1x96x64xf32, #tpu.memory_space<vmem>> -> memref<96x64xf32, #tpu.memory_space<vmem>>
      %dma_start3A_184 = arith.constant 104 : i32
      %dma_start3A_185 = arith.constant 0 : i32
      %dma_start3A_186 = tpu.memref_slice %arg4[%add3A_178, %dma_start3A_184, %dma_start3A_185] : memref<4096x200x64xf32, #tpu.memory_space<hbm>> -> memref<1x96x64xf32, #tpu.memory_space<hbm>>
      %dma_start3A_187 = tpu.memref_squeeze %dma_start3A_186 : memref<1x96x64xf32, #tpu.memory_space<hbm>> -> memref<96x64xf32, #tpu.memory_space<hbm>>
      %dma_start3A_188 = arith.constant 104 : i32
      %dma_start3A_189 = arith.constant 0 : i32
      %dma_start3A_190 = tpu.memref_slice %arg4[%add3A_178, %dma_start3A_188, %dma_start3A_189] : memref<4096x200x64xf32, #tpu.memory_space<hbm>> -> memref<1x96x64xf32, #tpu.memory_space<hbm>>
      %dma_start3A_191 = tpu.memref_squeeze %dma_start3A_190 : memref<1x96x64xf32, #tpu.memory_space<hbm>> -> memref<96x64xf32, #tpu.memory_space<hbm>>
      %dma_start3A_192 = arith.constant 0 : i32
      %dma_start3A_193 = arith.constant 0 : i32
      %dma_start3A_194 = tpu.memref_slice %arg6[%dma_start3A_179, %dma_start3A_192, %dma_start3A_193] : memref<8x104x64xf32, #tpu.memory_space<vmem>> -> memref<1x96x64xf32, #tpu.memory_space<vmem>>
      %dma_start3A_195 = tpu.memref_squeeze %dma_start3A_194 : memref<1x96x64xf32, #tpu.memory_space<vmem>> -> memref<96x64xf32, #tpu.memory_space<vmem>>
      tpu.enqueue_dma source(%dma_start3A_195 : memref<96x64xf32, #tpu.memory_space<vmem>>) target(%dma_start3A_191 : memref<96x64xf32, #tpu.memory_space<hbm>>) target_semaphore(%arg8 : memref<!tpu.dma_semaphore, #tpu.memory_space<semaphore_mem>>)
      %dma_wait3A_196 = arith.constant 2 : i32
      %dma_wait3A_197 = arith.constant 0 : i32
      %dma_wait3A_198 = arith.constant 0 : i32
      %dma_wait3A_199 = tpu.memref_slice %arg6[%dma_wait3A_196, %dma_wait3A_197, %dma_wait3A_198] : memref<8x104x64xf32, #tpu.memory_space<vmem>> -> memref<1x96x64xf32, #tpu.memory_space<vmem>>
      %dma_wait3A_200 = tpu.memref_squeeze %dma_wait3A_199 : memref<1x96x64xf32, #tpu.memory_space<vmem>> -> memref<96x64xf32, #tpu.memory_space<vmem>>
      %dma_wait3A_201 = arith.constant 0 : i32
      %dma_wait3A_202 = tpu.memref_slice %arg5[%add3A_48, %dma_wait3A_201] : memref<256x128xi32, #tpu.memory_space<vmem>> -> memref<1x96xi32, #tpu.memory_space<vmem>>
      %dma_wait3A_203 = tpu.memref_squeeze %dma_wait3A_202 : memref<1x96xi32, #tpu.memory_space<vmem>> -> memref<96xi32, #tpu.memory_space<vmem>>
      %dma_wait3A_204 = arith.constant 0 : i32
      %dma_wait3A_205 = arith.constant 0 : i32
      %dma_wait3A_206 = tpu.memref_slice %arg3[%dma_wait3A_204, %dma_wait3A_205] : memref<1048576x64xf32, #tpu.memory_space<hbm>> -> memref<1048576x64xf32, #tpu.memory_space<hbm>>
      tpu.wait_indirect_dma semaphore(%arg7 : memref<!tpu.dma_semaphore, #tpu.memory_space<semaphore_mem>>) src(%dma_wait3A_206 : memref<1048576x64xf32, #tpu.memory_space<hbm>>) dst(%dma_wait3A_200 : memref<96x64xf32, #tpu.memory_space<vmem>>)
      %add3A_207 = arith.addi %mul3A_2, %mul3A_15 : i32
      %add3A_208 = arith.constant 2 : i32
      %add3A_209 = arith.addi %add3A_207, %add3A_208 : i32
      %dma_start3A_210 = arith.constant 2 : i32
      %dma_start3A_211 = arith.constant 0 : i32
      %dma_start3A_212 = arith.constant 0 : i32
      %dma_start3A_213 = tpu.memref_slice %arg6[%dma_start3A_210, %dma_start3A_211, %dma_start3A_212] : memref<8x104x64xf32, #tpu.memory_space<vmem>> -> memref<1x96x64xf32, #tpu.memory_space<vmem>>
      %dma_start3A_214 = tpu.memref_squeeze %dma_start3A_213 : memref<1x96x64xf32, #tpu.memory_space<vmem>> -> memref<96x64xf32, #tpu.memory_space<vmem>>
      %dma_start3A_215 = arith.constant 104 : i32
      %dma_start3A_216 = arith.constant 0 : i32
      %dma_start3A_217 = tpu.memref_slice %arg4[%add3A_209, %dma_start3A_215, %dma_start3A_216] : memref<4096x200x64xf32, #tpu.memory_space<hbm>> -> memref<1x96x64xf32, #tpu.memory_space<hbm>>
      %dma_start3A_218 = tpu.memref_squeeze %dma_start3A_217 : memref<1x96x64xf32, #tpu.memory_space<hbm>> -> memref<96x64xf32, #tpu.memory_space<hbm>>
      %dma_start3A_219 = arith.constant 104 : i32
      %dma_start3A_220 = arith.constant 0 : i32
      %dma_start3A_221 = tpu.memref_slice %arg4[%add3A_209, %dma_start3A_219, %dma_start3A_220] : memref<4096x200x64xf32, #tpu.memory_space<hbm>> -> memref<1x96x64xf32, #tpu.memory_space<hbm>>
      %dma_start3A_222 = tpu.memref_squeeze %dma_start3A_221 : memref<1x96x64xf32, #tpu.memory_space<hbm>> -> memref<96x64xf32, #tpu.memory_space<hbm>>
      %dma_start3A_223 = arith.constant 0 : i32
      %dma_start3A_224 = arith.constant 0 : i32
      %dma_start3A_225 = tpu.memref_slice %arg6[%dma_start3A_210, %dma_start3A_223, %dma_start3A_224] : memref<8x104x64xf32, #tpu.memory_space<vmem>> -> memref<1x96x64xf32, #tpu.memory_space<vmem>>
      %dma_start3A_226 = tpu.memref_squeeze %dma_start3A_225 : memref<1x96x64xf32, #tpu.memory_space<vmem>> -> memref<96x64xf32, #tpu.memory_space<vmem>>
      tpu.enqueue_dma source(%dma_start3A_226 : memref<96x64xf32, #tpu.memory_space<vmem>>) target(%dma_start3A_222 : memref<96x64xf32, #tpu.memory_space<hbm>>) target_semaphore(%arg8 : memref<!tpu.dma_semaphore, #tpu.memory_space<semaphore_mem>>)
      %dma_wait3A_227 = arith.constant 3 : i32
      %dma_wait3A_228 = arith.constant 0 : i32
      %dma_wait3A_229 = arith.constant 0 : i32
      %dma_wait3A_230 = tpu.memref_slice %arg6[%dma_wait3A_227, %dma_wait3A_228, %dma_wait3A_229] : memref<8x104x64xf32, #tpu.memory_space<vmem>> -> memref<1x96x64xf32, #tpu.memory_space<vmem>>
      %dma_wait3A_231 = tpu.memref_squeeze %dma_wait3A_230 : memref<1x96x64xf32, #tpu.memory_space<vmem>> -> memref<96x64xf32, #tpu.memory_space<vmem>>
      %dma_wait3A_232 = arith.constant 0 : i32
      %dma_wait3A_233 = tpu.memref_slice %arg5[%add3A_63, %dma_wait3A_232] : memref<256x128xi32, #tpu.memory_space<vmem>> -> memref<1x96xi32, #tpu.memory_space<vmem>>
      %dma_wait3A_234 = tpu.memref_squeeze %dma_wait3A_233 : memref<1x96xi32, #tpu.memory_space<vmem>> -> memref<96xi32, #tpu.memory_space<vmem>>
      %dma_wait3A_235 = arith.constant 0 : i32
      %dma_wait3A_236 = arith.constant 0 : i32
      %dma_wait3A_237 = tpu.memref_slice %arg3[%dma_wait3A_235, %dma_wait3A_236] : memref<1048576x64xf32, #tpu.memory_space<hbm>> -> memref<1048576x64xf32, #tpu.memory_space<hbm>>
      tpu.wait_indirect_dma semaphore(%arg7 : memref<!tpu.dma_semaphore, #tpu.memory_space<semaphore_mem>>) src(%dma_wait3A_237 : memref<1048576x64xf32, #tpu.memory_space<hbm>>) dst(%dma_wait3A_231 : memref<96x64xf32, #tpu.memory_space<vmem>>)
      %add3A_238 = arith.addi %mul3A_2, %mul3A_15 : i32
      %add3A_239 = arith.constant 3 : i32
      %add3A_240 = arith.addi %add3A_238, %add3A_239 : i32
      %dma_start3A_241 = arith.constant 3 : i32
      %dma_start3A_242 = arith.constant 0 : i32
      %dma_start3A_243 = arith.constant 0 : i32
      %dma_start3A_244 = tpu.memref_slice %arg6[%dma_start3A_241, %dma_start3A_242, %dma_start3A_243] : memref<8x104x64xf32, #tpu.memory_space<vmem>> -> memref<1x96x64xf32, #tpu.memory_space<vmem>>
      %dma_start3A_245 = tpu.memref_squeeze %dma_start3A_244 : memref<1x96x64xf32, #tpu.memory_space<vmem>> -> memref<96x64xf32, #tpu.memory_space<vmem>>
      %dma_start3A_246 = arith.constant 104 : i32
      %dma_start3A_247 = arith.constant 0 : i32
      %dma_start3A_248 = tpu.memref_slice %arg4[%add3A_240, %dma_start3A_246, %dma_start3A_247] : memref<4096x200x64xf32, #tpu.memory_space<hbm>> -> memref<1x96x64xf32, #tpu.memory_space<hbm>>
      %dma_start3A_249 = tpu.memref_squeeze %dma_start3A_248 : memref<1x96x64xf32, #tpu.memory_space<hbm>> -> memref<96x64xf32, #tpu.memory_space<hbm>>
      %dma_start3A_250 = arith.constant 104 : i32
      %dma_start3A_251 = arith.constant 0 : i32
      %dma_start3A_252 = tpu.memref_slice %arg4[%add3A_240, %dma_start3A_250, %dma_start3A_251] : memref<4096x200x64xf32, #tpu.memory_space<hbm>> -> memref<1x96x64xf32, #tpu.memory_space<hbm>>
      %dma_start3A_253 = tpu.memref_squeeze %dma_start3A_252 : memref<1x96x64xf32, #tpu.memory_space<hbm>> -> memref<96x64xf32, #tpu.memory_space<hbm>>
      %dma_start3A_254 = arith.constant 0 : i32
      %dma_start3A_255 = arith.constant 0 : i32
      %dma_start3A_256 = tpu.memref_slice %arg6[%dma_start3A_241, %dma_start3A_254, %dma_start3A_255] : memref<8x104x64xf32, #tpu.memory_space<vmem>> -> memref<1x96x64xf32, #tpu.memory_space<vmem>>
      %dma_start3A_257 = tpu.memref_squeeze %dma_start3A_256 : memref<1x96x64xf32, #tpu.memory_space<vmem>> -> memref<96x64xf32, #tpu.memory_space<vmem>>
      tpu.enqueue_dma source(%dma_start3A_257 : memref<96x64xf32, #tpu.memory_space<vmem>>) target(%dma_start3A_253 : memref<96x64xf32, #tpu.memory_space<hbm>>) target_semaphore(%arg8 : memref<!tpu.dma_semaphore, #tpu.memory_space<semaphore_mem>>)
      %dma_wait3A_258 = arith.constant 4 : i32
      %dma_wait3A_259 = arith.constant 0 : i32
      %dma_wait3A_260 = arith.constant 0 : i32
      %dma_wait3A_261 = tpu.memref_slice %arg6[%dma_wait3A_258, %dma_wait3A_259, %dma_wait3A_260] : memref<8x104x64xf32, #tpu.memory_space<vmem>> -> memref<1x96x64xf32, #tpu.memory_space<vmem>>
      %dma_wait3A_262 = tpu.memref_squeeze %dma_wait3A_261 : memref<1x96x64xf32, #tpu.memory_space<vmem>> -> memref<96x64xf32, #tpu.memory_space<vmem>>
      %dma_wait3A_263 = arith.constant 0 : i32
      %dma_wait3A_264 = tpu.memref_slice %arg5[%add3A_78, %dma_wait3A_263] : memref<256x128xi32, #tpu.memory_space<vmem>> -> memref<1x96xi32, #tpu.memory_space<vmem>>
      %dma_wait3A_265 = tpu.memref_squeeze %dma_wait3A_264 : memref<1x96xi32, #tpu.memory_space<vmem>> -> memref<96xi32, #tpu.memory_space<vmem>>
      %dma_wait3A_266 = arith.constant 0 : i32
      %dma_wait3A_267 = arith.constant 0 : i32
      %dma_wait3A_268 = tpu.memref_slice %arg3[%dma_wait3A_266, %dma_wait3A_267] : memref<1048576x64xf32, #tpu.memory_space<hbm>> -> memref<1048576x64xf32, #tpu.memory_space<hbm>>
      tpu.wait_indirect_dma semaphore(%arg7 : memref<!tpu.dma_semaphore, #tpu.memory_space<semaphore_mem>>) src(%dma_wait3A_268 : memref<1048576x64xf32, #tpu.memory_space<hbm>>) dst(%dma_wait3A_262 : memref<96x64xf32, #tpu.memory_space<vmem>>)
      %add3A_269 = arith.addi %mul3A_2, %mul3A_15 : i32
      %add3A_270 = arith.constant 4 : i32
      %add3A_271 = arith.addi %add3A_269, %add3A_270 : i32
      %dma_start3A_272 = arith.constant 4 : i32
      %dma_start3A_273 = arith.constant 0 : i32
      %dma_start3A_274 = arith.constant 0 : i32
      %dma_start3A_275 = tpu.memref_slice %arg6[%dma_start3A_272, %dma_start3A_273, %dma_start3A_274] : memref<8x104x64xf32, #tpu.memory_space<vmem>> -> memref<1x96x64xf32, #tpu.memory_space<vmem>>
      %dma_start3A_276 = tpu.memref_squeeze %dma_start3A_275 : memref<1x96x64xf32, #tpu.memory_space<vmem>> -> memref<96x64xf32, #tpu.memory_space<vmem>>
      %dma_start3A_277 = arith.constant 104 : i32
      %dma_start3A_278 = arith.constant 0 : i32
      %dma_start3A_279 = tpu.memref_slice %arg4[%add3A_271, %dma_start3A_277, %dma_start3A_278] : memref<4096x200x64xf32, #tpu.memory_space<hbm>> -> memref<1x96x64xf32, #tpu.memory_space<hbm>>
      %dma_start3A_280 = tpu.memref_squeeze %dma_start3A_279 : memref<1x96x64xf32, #tpu.memory_space<hbm>> -> memref<96x64xf32, #tpu.memory_space<hbm>>
      %dma_start3A_281 = arith.constant 104 : i32
      %dma_start3A_282 = arith.constant 0 : i32
      %dma_start3A_283 = tpu.memref_slice %arg4[%add3A_271, %dma_start3A_281, %dma_start3A_282] : memref<4096x200x64xf32, #tpu.memory_space<hbm>> -> memref<1x96x64xf32, #tpu.memory_space<hbm>>
      %dma_start3A_284 = tpu.memref_squeeze %dma_start3A_283 : memref<1x96x64xf32, #tpu.memory_space<hbm>> -> memref<96x64xf32, #tpu.memory_space<hbm>>
      %dma_start3A_285 = arith.constant 0 : i32
      %dma_start3A_286 = arith.constant 0 : i32
      %dma_start3A_287 = tpu.memref_slice %arg6[%dma_start3A_272, %dma_start3A_285, %dma_start3A_286] : memref<8x104x64xf32, #tpu.memory_space<vmem>> -> memref<1x96x64xf32, #tpu.memory_space<vmem>>
      %dma_start3A_288 = tpu.memref_squeeze %dma_start3A_287 : memref<1x96x64xf32, #tpu.memory_space<vmem>> -> memref<96x64xf32, #tpu.memory_space<vmem>>
      tpu.enqueue_dma source(%dma_start3A_288 : memref<96x64xf32, #tpu.memory_space<vmem>>) target(%dma_start3A_284 : memref<96x64xf32, #tpu.memory_space<hbm>>) target_semaphore(%arg8 : memref<!tpu.dma_semaphore, #tpu.memory_space<semaphore_mem>>)
      %dma_wait3A_289 = arith.constant 5 : i32
      %dma_wait3A_290 = arith.constant 0 : i32
      %dma_wait3A_291 = arith.constant 0 : i32
      %dma_wait3A_292 = tpu.memref_slice %arg6[%dma_wait3A_289, %dma_wait3A_290, %dma_wait3A_291] : memref<8x104x64xf32, #tpu.memory_space<vmem>> -> memref<1x96x64xf32, #tpu.memory_space<vmem>>
      %dma_wait3A_293 = tpu.memref_squeeze %dma_wait3A_292 : memref<1x96x64xf32, #tpu.memory_space<vmem>> -> memref<96x64xf32, #tpu.memory_space<vmem>>
      %dma_wait3A_294 = arith.constant 0 : i32
      %dma_wait3A_295 = tpu.memref_slice %arg5[%add3A_93, %dma_wait3A_294] : memref<256x128xi32, #tpu.memory_space<vmem>> -> memref<1x96xi32, #tpu.memory_space<vmem>>
      %dma_wait3A_296 = tpu.memref_squeeze %dma_wait3A_295 : memref<1x96xi32, #tpu.memory_space<vmem>> -> memref<96xi32, #tpu.memory_space<vmem>>
      %dma_wait3A_297 = arith.constant 0 : i32
      %dma_wait3A_298 = arith.constant 0 : i32
      %dma_wait3A_299 = tpu.memref_slice %arg3[%dma_wait3A_297, %dma_wait3A_298] : memref<1048576x64xf32, #tpu.memory_space<hbm>> -> memref<1048576x64xf32, #tpu.memory_space<hbm>>
      tpu.wait_indirect_dma semaphore(%arg7 : memref<!tpu.dma_semaphore, #tpu.memory_space<semaphore_mem>>) src(%dma_wait3A_299 : memref<1048576x64xf32, #tpu.memory_space<hbm>>) dst(%dma_wait3A_293 : memref<96x64xf32, #tpu.memory_space<vmem>>)
      %add3A_300 = arith.addi %mul3A_2, %mul3A_15 : i32
      %add3A_301 = arith.constant 5 : i32
      %add3A_302 = arith.addi %add3A_300, %add3A_301 : i32
      %dma_start3A_303 = arith.constant 5 : i32
      %dma_start3A_304 = arith.constant 0 : i32
      %dma_start3A_305 = arith.constant 0 : i32
      %dma_start3A_306 = tpu.memref_slice %arg6[%dma_start3A_303, %dma_start3A_304, %dma_start3A_305] : memref<8x104x64xf32, #tpu.memory_space<vmem>> -> memref<1x96x64xf32, #tpu.memory_space<vmem>>
      %dma_start3A_307 = tpu.memref_squeeze %dma_start3A_306 : memref<1x96x64xf32, #tpu.memory_space<vmem>> -> memref<96x64xf32, #tpu.memory_space<vmem>>
      %dma_start3A_308 = arith.constant 104 : i32
      %dma_start3A_309 = arith.constant 0 : i32
      %dma_start3A_310 = tpu.memref_slice %arg4[%add3A_302, %dma_start3A_308, %dma_start3A_309] : memref<4096x200x64xf32, #tpu.memory_space<hbm>> -> memref<1x96x64xf32, #tpu.memory_space<hbm>>
      %dma_start3A_311 = tpu.memref_squeeze %dma_start3A_310 : memref<1x96x64xf32, #tpu.memory_space<hbm>> -> memref<96x64xf32, #tpu.memory_space<hbm>>
      %dma_start3A_312 = arith.constant 104 : i32
      %dma_start3A_313 = arith.constant 0 : i32
      %dma_start3A_314 = tpu.memref_slice %arg4[%add3A_302, %dma_start3A_312, %dma_start3A_313] : memref<4096x200x64xf32, #tpu.memory_space<hbm>> -> memref<1x96x64xf32, #tpu.memory_space<hbm>>
      %dma_start3A_315 = tpu.memref_squeeze %dma_start3A_314 : memref<1x96x64xf32, #tpu.memory_space<hbm>> -> memref<96x64xf32, #tpu.memory_space<hbm>>
      %dma_start3A_316 = arith.constant 0 : i32
      %dma_start3A_317 = arith.constant 0 : i32
      %dma_start3A_318 = tpu.memref_slice %arg6[%dma_start3A_303, %dma_start3A_316, %dma_start3A_317] : memref<8x104x64xf32, #tpu.memory_space<vmem>> -> memref<1x96x64xf32, #tpu.memory_space<vmem>>
      %dma_start3A_319 = tpu.memref_squeeze %dma_start3A_318 : memref<1x96x64xf32, #tpu.memory_space<vmem>> -> memref<96x64xf32, #tpu.memory_space<vmem>>
      tpu.enqueue_dma source(%dma_start3A_319 : memref<96x64xf32, #tpu.memory_space<vmem>>) target(%dma_start3A_315 : memref<96x64xf32, #tpu.memory_space<hbm>>) target_semaphore(%arg8 : memref<!tpu.dma_semaphore, #tpu.memory_space<semaphore_mem>>)
      %dma_wait3A_320 = arith.constant 6 : i32
      %dma_wait3A_321 = arith.constant 0 : i32
      %dma_wait3A_322 = arith.constant 0 : i32
      %dma_wait3A_323 = tpu.memref_slice %arg6[%dma_wait3A_320, %dma_wait3A_321, %dma_wait3A_322] : memref<8x104x64xf32, #tpu.memory_space<vmem>> -> memref<1x96x64xf32, #tpu.memory_space<vmem>>
      %dma_wait3A_324 = tpu.memref_squeeze %dma_wait3A_323 : memref<1x96x64xf32, #tpu.memory_space<vmem>> -> memref<96x64xf32, #tpu.memory_space<vmem>>
      %dma_wait3A_325 = arith.constant 0 : i32
      %dma_wait3A_326 = tpu.memref_slice %arg5[%add3A_108, %dma_wait3A_325] : memref<256x128xi32, #tpu.memory_space<vmem>> -> memref<1x96xi32, #tpu.memory_space<vmem>>
      %dma_wait3A_327 = tpu.memref_squeeze %dma_wait3A_326 : memref<1x96xi32, #tpu.memory_space<vmem>> -> memref<96xi32, #tpu.memory_space<vmem>>
      %dma_wait3A_328 = arith.constant 0 : i32
      %dma_wait3A_329 = arith.constant 0 : i32
      %dma_wait3A_330 = tpu.memref_slice %arg3[%dma_wait3A_328, %dma_wait3A_329] : memref<1048576x64xf32, #tpu.memory_space<hbm>> -> memref<1048576x64xf32, #tpu.memory_space<hbm>>
      tpu.wait_indirect_dma semaphore(%arg7 : memref<!tpu.dma_semaphore, #tpu.memory_space<semaphore_mem>>) src(%dma_wait3A_330 : memref<1048576x64xf32, #tpu.memory_space<hbm>>) dst(%dma_wait3A_324 : memref<96x64xf32, #tpu.memory_space<vmem>>)
      %add3A_331 = arith.addi %mul3A_2, %mul3A_15 : i32
      %add3A_332 = arith.constant 6 : i32
      %add3A_333 = arith.addi %add3A_331, %add3A_332 : i32
      %dma_start3A_334 = arith.constant 6 : i32
      %dma_start3A_335 = arith.constant 0 : i32
      %dma_start3A_336 = arith.constant 0 : i32
      %dma_start3A_337 = tpu.memref_slice %arg6[%dma_start3A_334, %dma_start3A_335, %dma_start3A_336] : memref<8x104x64xf32, #tpu.memory_space<vmem>> -> memref<1x96x64xf32, #tpu.memory_space<vmem>>
      %dma_start3A_338 = tpu.memref_squeeze %dma_start3A_337 : memref<1x96x64xf32, #tpu.memory_space<vmem>> -> memref<96x64xf32, #tpu.memory_space<vmem>>
      %dma_start3A_339 = arith.constant 104 : i32
      %dma_start3A_340 = arith.constant 0 : i32
      %dma_start3A_341 = tpu.memref_slice %arg4[%add3A_333, %dma_start3A_339, %dma_start3A_340] : memref<4096x200x64xf32, #tpu.memory_space<hbm>> -> memref<1x96x64xf32, #tpu.memory_space<hbm>>
      %dma_start3A_342 = tpu.memref_squeeze %dma_start3A_341 : memref<1x96x64xf32, #tpu.memory_space<hbm>> -> memref<96x64xf32, #tpu.memory_space<hbm>>
      %dma_start3A_343 = arith.constant 104 : i32
      %dma_start3A_344 = arith.constant 0 : i32
      %dma_start3A_345 = tpu.memref_slice %arg4[%add3A_333, %dma_start3A_343, %dma_start3A_344] : memref<4096x200x64xf32, #tpu.memory_space<hbm>> -> memref<1x96x64xf32, #tpu.memory_space<hbm>>
      %dma_start3A_346 = tpu.memref_squeeze %dma_start3A_345 : memref<1x96x64xf32, #tpu.memory_space<hbm>> -> memref<96x64xf32, #tpu.memory_space<hbm>>
      %dma_start3A_347 = arith.constant 0 : i32
      %dma_start3A_348 = arith.constant 0 : i32
      %dma_start3A_349 = tpu.memref_slice %arg6[%dma_start3A_334, %dma_start3A_347, %dma_start3A_348] : memref<8x104x64xf32, #tpu.memory_space<vmem>> -> memref<1x96x64xf32, #tpu.memory_space<vmem>>
      %dma_start3A_350 = tpu.memref_squeeze %dma_start3A_349 : memref<1x96x64xf32, #tpu.memory_space<vmem>> -> memref<96x64xf32, #tpu.memory_space<vmem>>
      tpu.enqueue_dma source(%dma_start3A_350 : memref<96x64xf32, #tpu.memory_space<vmem>>) target(%dma_start3A_346 : memref<96x64xf32, #tpu.memory_space<hbm>>) target_semaphore(%arg8 : memref<!tpu.dma_semaphore, #tpu.memory_space<semaphore_mem>>)
      %dma_wait3A_351 = arith.constant 7 : i32
      %dma_wait3A_352 = arith.constant 0 : i32
      %dma_wait3A_353 = arith.constant 0 : i32
      %dma_wait3A_354 = tpu.memref_slice %arg6[%dma_wait3A_351, %dma_wait3A_352, %dma_wait3A_353] : memref<8x104x64xf32, #tpu.memory_space<vmem>> -> memref<1x96x64xf32, #tpu.memory_space<vmem>>
      %dma_wait3A_355 = tpu.memref_squeeze %dma_wait3A_354 : memref<1x96x64xf32, #tpu.memory_space<vmem>> -> memref<96x64xf32, #tpu.memory_space<vmem>>
      %dma_wait3A_356 = arith.constant 0 : i32
      %dma_wait3A_357 = tpu.memref_slice %arg5[%add3A_123, %dma_wait3A_356] : memref<256x128xi32, #tpu.memory_space<vmem>> -> memref<1x96xi32, #tpu.memory_space<vmem>>
      %dma_wait3A_358 = tpu.memref_squeeze %dma_wait3A_357 : memref<1x96xi32, #tpu.memory_space<vmem>> -> memref<96xi32, #tpu.memory_space<vmem>>
      %dma_wait3A_359 = arith.constant 0 : i32
      %dma_wait3A_360 = arith.constant 0 : i32
      %dma_wait3A_361 = tpu.memref_slice %arg3[%dma_wait3A_359, %dma_wait3A_360] : memref<1048576x64xf32, #tpu.memory_space<hbm>> -> memref<1048576x64xf32, #tpu.memory_space<hbm>>
      tpu.wait_indirect_dma semaphore(%arg7 : memref<!tpu.dma_semaphore, #tpu.memory_space<semaphore_mem>>) src(%dma_wait3A_361 : memref<1048576x64xf32, #tpu.memory_space<hbm>>) dst(%dma_wait3A_355 : memref<96x64xf32, #tpu.memory_space<vmem>>)
      %add3A_362 = arith.addi %mul3A_2, %mul3A_15 : i32
      %add3A_363 = arith.constant 7 : i32
      %add3A_364 = arith.addi %add3A_362, %add3A_363 : i32
      %dma_start3A_365 = arith.constant 7 : i32
      %dma_start3A_366 = arith.constant 0 : i32
      %dma_start3A_367 = arith.constant 0 : i32
      %dma_start3A_368 = tpu.memref_slice %arg6[%dma_start3A_365, %dma_start3A_366, %dma_start3A_367] : memref<8x104x64xf32, #tpu.memory_space<vmem>> -> memref<1x96x64xf32, #tpu.memory_space<vmem>>
      %dma_start3A_369 = tpu.memref_squeeze %dma_start3A_368 : memref<1x96x64xf32, #tpu.memory_space<vmem>> -> memref<96x64xf32, #tpu.memory_space<vmem>>
      %dma_start3A_370 = arith.constant 104 : i32
      %dma_start3A_371 = arith.constant 0 : i32
      %dma_start3A_372 = tpu.memref_slice %arg4[%add3A_364, %dma_start3A_370, %dma_start3A_371] : memref<4096x200x64xf32, #tpu.memory_space<hbm>> -> memref<1x96x64xf32, #tpu.memory_space<hbm>>
      %dma_start3A_373 = tpu.memref_squeeze %dma_start3A_372 : memref<1x96x64xf32, #tpu.memory_space<hbm>> -> memref<96x64xf32, #tpu.memory_space<hbm>>
      %dma_start3A_374 = arith.constant 104 : i32
      %dma_start3A_375 = arith.constant 0 : i32
      %dma_start3A_376 = tpu.memref_slice %arg4[%add3A_364, %dma_start3A_374, %dma_start3A_375] : memref<4096x200x64xf32, #tpu.memory_space<hbm>> -> memref<1x96x64xf32, #tpu.memory_space<hbm>>
      %dma_start3A_377 = tpu.memref_squeeze %dma_start3A_376 : memref<1x96x64xf32, #tpu.memory_space<hbm>> -> memref<96x64xf32, #tpu.memory_space<hbm>>
      %dma_start3A_378 = arith.constant 0 : i32
      %dma_start3A_379 = arith.constant 0 : i32
      %dma_start3A_380 = tpu.memref_slice %arg6[%dma_start3A_365, %dma_start3A_378, %dma_start3A_379] : memref<8x104x64xf32, #tpu.memory_space<vmem>> -> memref<1x96x64xf32, #tpu.memory_space<vmem>>
      %dma_start3A_381 = tpu.memref_squeeze %dma_start3A_380 : memref<1x96x64xf32, #tpu.memory_space<vmem>> -> memref<96x64xf32, #tpu.memory_space<vmem>>
      tpu.enqueue_dma source(%dma_start3A_381 : memref<96x64xf32, #tpu.memory_space<vmem>>) target(%dma_start3A_377 : memref<96x64xf32, #tpu.memory_space<hbm>>) target_semaphore(%arg8 : memref<!tpu.dma_semaphore, #tpu.memory_space<semaphore_mem>>)
      %dma_wait3A_382 = arith.constant 0 : i32
      %dma_wait3A_383 = arith.constant 0 : i32
      %dma_wait3A_384 = arith.constant 0 : i32
      %dma_wait3A_385 = tpu.memref_slice %arg6[%dma_wait3A_382, %dma_wait3A_383, %dma_wait3A_384] : memref<8x104x64xf32, #tpu.memory_space<vmem>> -> memref<1x96x64xf32, #tpu.memory_space<vmem>>
      %dma_wait3A_386 = tpu.memref_squeeze %dma_wait3A_385 : memref<1x96x64xf32, #tpu.memory_space<vmem>> -> memref<96x64xf32, #tpu.memory_space<vmem>>
      %dma_wait3A_387 = arith.constant 104 : i32
      %dma_wait3A_388 = arith.constant 0 : i32
      %dma_wait3A_389 = tpu.memref_slice %arg4[%add3A_147, %dma_wait3A_387, %dma_wait3A_388] : memref<4096x200x64xf32, #tpu.memory_space<hbm>> -> memref<1x96x64xf32, #tpu.memory_space<hbm>>
      %dma_wait3A_390 = tpu.memref_squeeze %dma_wait3A_389 : memref<1x96x64xf32, #tpu.memory_space<hbm>> -> memref<96x64xf32, #tpu.memory_space<hbm>>
      %dma_wait3A_391 = arith.constant 104 : i32
      %dma_wait3A_392 = arith.constant 0 : i32
      %dma_wait3A_393 = tpu.memref_slice %arg4[%add3A_147, %dma_wait3A_391, %dma_wait3A_392] : memref<4096x200x64xf32, #tpu.memory_space<hbm>> -> memref<1x96x64xf32, #tpu.memory_space<hbm>>
      %dma_wait3A_394 = tpu.memref_squeeze %dma_wait3A_393 : memref<1x96x64xf32, #tpu.memory_space<hbm>> -> memref<96x64xf32, #tpu.memory_space<hbm>>
      %dma_wait3A_395 = arith.constant 0 : i32
      %dma_wait3A_396 = arith.constant 0 : i32
      %dma_wait3A_397 = tpu.memref_slice %arg6[%dma_wait3A_382, %dma_wait3A_395, %dma_wait3A_396] : memref<8x104x64xf32, #tpu.memory_space<vmem>> -> memref<1x96x64xf32, #tpu.memory_space<vmem>>
      %dma_wait3A_398 = tpu.memref_squeeze %dma_wait3A_397 : memref<1x96x64xf32, #tpu.memory_space<vmem>> -> memref<96x64xf32, #tpu.memory_space<vmem>>
      tpu.wait_dma2 semaphore(%arg8 : memref<!tpu.dma_semaphore, #tpu.memory_space<semaphore_mem>>) src(%dma_wait3A_398 : memref<96x64xf32, #tpu.memory_space<vmem>>) dst(%dma_wait3A_394 : memref<96x64xf32, #tpu.memory_space<hbm>>)
      %dma_wait3A_399 = arith.constant 1 : i32
      %dma_wait3A_400 = arith.constant 0 : i32
      %dma_wait3A_401 = arith.constant 0 : i32
      %dma_wait3A_402 = tpu.memref_slice %arg6[%dma_wait3A_399, %dma_wait3A_400, %dma_wait3A_401] : memref<8x104x64xf32, #tpu.memory_space<vmem>> -> memref<1x96x64xf32, #tpu.memory_space<vmem>>
      %dma_wait3A_403 = tpu.memref_squeeze %dma_wait3A_402 : memref<1x96x64xf32, #tpu.memory_space<vmem>> -> memref<96x64xf32, #tpu.memory_space<vmem>>
      %dma_wait3A_404 = arith.constant 104 : i32
      %dma_wait3A_405 = arith.constant 0 : i32
      %dma_wait3A_406 = tpu.memref_slice %arg4[%add3A_178, %dma_wait3A_404, %dma_wait3A_405] : memref<4096x200x64xf32, #tpu.memory_space<hbm>> -> memref<1x96x64xf32, #tpu.memory_space<hbm>>
      %dma_wait3A_407 = tpu.memref_squeeze %dma_wait3A_406 : memref<1x96x64xf32, #tpu.memory_space<hbm>> -> memref<96x64xf32, #tpu.memory_space<hbm>>
      %dma_wait3A_408 = arith.constant 104 : i32
      %dma_wait3A_409 = arith.constant 0 : i32
      %dma_wait3A_410 = tpu.memref_slice %arg4[%add3A_178, %dma_wait3A_408, %dma_wait3A_409] : memref<4096x200x64xf32, #tpu.memory_space<hbm>> -> memref<1x96x64xf32, #tpu.memory_space<hbm>>
      %dma_wait3A_411 = tpu.memref_squeeze %dma_wait3A_410 : memref<1x96x64xf32, #tpu.memory_space<hbm>> -> memref<96x64xf32, #tpu.memory_space<hbm>>
      %dma_wait3A_412 = arith.constant 0 : i32
      %dma_wait3A_413 = arith.constant 0 : i32
      %dma_wait3A_414 = tpu.memref_slice %arg6[%dma_wait3A_399, %dma_wait3A_412, %dma_wait3A_413] : memref<8x104x64xf32, #tpu.memory_space<vmem>> -> memref<1x96x64xf32, #tpu.memory_space<vmem>>
      %dma_wait3A_415 = tpu.memref_squeeze %dma_wait3A_414 : memref<1x96x64xf32, #tpu.memory_space<vmem>> -> memref<96x64xf32, #tpu.memory_space<vmem>>
      tpu.wait_dma2 semaphore(%arg8 : memref<!tpu.dma_semaphore, #tpu.memory_space<semaphore_mem>>) src(%dma_wait3A_415 : memref<96x64xf32, #tpu.memory_space<vmem>>) dst(%dma_wait3A_411 : memref<96x64xf32, #tpu.memory_space<hbm>>)
      %dma_wait3A_416 = arith.constant 2 : i32
      %dma_wait3A_417 = arith.constant 0 : i32
      %dma_wait3A_418 = arith.constant 0 : i32
      %dma_wait3A_419 = tpu.memref_slice %arg6[%dma_wait3A_416, %dma_wait3A_417, %dma_wait3A_418] : memref<8x104x64xf32, #tpu.memory_space<vmem>> -> memref<1x96x64xf32, #tpu.memory_space<vmem>>
      %dma_wait3A_420 = tpu.memref_squeeze %dma_wait3A_419 : memref<1x96x64xf32, #tpu.memory_space<vmem>> -> memref<96x64xf32, #tpu.memory_space<vmem>>
      %dma_wait3A_421 = arith.constant 104 : i32
      %dma_wait3A_422 = arith.constant 0 : i32
      %dma_wait3A_423 = tpu.memref_slice %arg4[%add3A_209, %dma_wait3A_421, %dma_wait3A_422] : memref<4096x200x64xf32, #tpu.memory_space<hbm>> -> memref<1x96x64xf32, #tpu.memory_space<hbm>>
      %dma_wait3A_424 = tpu.memref_squeeze %dma_wait3A_423 : memref<1x96x64xf32, #tpu.memory_space<hbm>> -> memref<96x64xf32, #tpu.memory_space<hbm>>
      %dma_wait3A_425 = arith.constant 104 : i32
      %dma_wait3A_426 = arith.constant 0 : i32
      %dma_wait3A_427 = tpu.memref_slice %arg4[%add3A_209, %dma_wait3A_425, %dma_wait3A_426] : memref<4096x200x64xf32, #tpu.memory_space<hbm>> -> memref<1x96x64xf32, #tpu.memory_space<hbm>>
      %dma_wait3A_428 = tpu.memref_squeeze %dma_wait3A_427 : memref<1x96x64xf32, #tpu.memory_space<hbm>> -> memref<96x64xf32, #tpu.memory_space<hbm>>
      %dma_wait3A_429 = arith.constant 0 : i32
      %dma_wait3A_430 = arith.constant 0 : i32
      %dma_wait3A_431 = tpu.memref_slice %arg6[%dma_wait3A_416, %dma_wait3A_429, %dma_wait3A_430] : memref<8x104x64xf32, #tpu.memory_space<vmem>> -> memref<1x96x64xf32, #tpu.memory_space<vmem>>
      %dma_wait3A_432 = tpu.memref_squeeze %dma_wait3A_431 : memref<1x96x64xf32, #tpu.memory_space<vmem>> -> memref<96x64xf32, #tpu.memory_space<vmem>>
      tpu.wait_dma2 semaphore(%arg8 : memref<!tpu.dma_semaphore, #tpu.memory_space<semaphore_mem>>) src(%dma_wait3A_432 : memref<96x64xf32, #tpu.memory_space<vmem>>) dst(%dma_wait3A_428 : memref<96x64xf32, #tpu.memory_space<hbm>>)
      %dma_wait3A_433 = arith.constant 3 : i32
      %dma_wait3A_434 = arith.constant 0 : i32
      %dma_wait3A_435 = arith.constant 0 : i32
      %dma_wait3A_436 = tpu.memref_slice %arg6[%dma_wait3A_433, %dma_wait3A_434, %dma_wait3A_435] : memref<8x104x64xf32, #tpu.memory_space<vmem>> -> memref<1x96x64xf32, #tpu.memory_space<vmem>>
      %dma_wait3A_437 = tpu.memref_squeeze %dma_wait3A_436 : memref<1x96x64xf32, #tpu.memory_space<vmem>> -> memref<96x64xf32, #tpu.memory_space<vmem>>
      %dma_wait3A_438 = arith.constant 104 : i32
      %dma_wait3A_439 = arith.constant 0 : i32
      %dma_wait3A_440 = tpu.memref_slice %arg4[%add3A_240, %dma_wait3A_438, %dma_wait3A_439] : memref<4096x200x64xf32, #tpu.memory_space<hbm>> -> memref<1x96x64xf32, #tpu.memory_space<hbm>>
      %dma_wait3A_441 = tpu.memref_squeeze %dma_wait3A_440 : memref<1x96x64xf32, #tpu.memory_space<hbm>> -> memref<96x64xf32, #tpu.memory_space<hbm>>
      %dma_wait3A_442 = arith.constant 104 : i32
      %dma_wait3A_443 = arith.constant 0 : i32
      %dma_wait3A_444 = tpu.memref_slice %arg4[%add3A_240, %dma_wait3A_442, %dma_wait3A_443] : memref<4096x200x64xf32, #tpu.memory_space<hbm>> -> memref<1x96x64xf32, #tpu.memory_space<hbm>>
      %dma_wait3A_445 = tpu.memref_squeeze %dma_wait3A_444 : memref<1x96x64xf32, #tpu.memory_space<hbm>> -> memref<96x64xf32, #tpu.memory_space<hbm>>
      %dma_wait3A_446 = arith.constant 0 : i32
      %dma_wait3A_447 = arith.constant 0 : i32
      %dma_wait3A_448 = tpu.memref_slice %arg6[%dma_wait3A_433, %dma_wait3A_446, %dma_wait3A_447] : memref<8x104x64xf32, #tpu.memory_space<vmem>> -> memref<1x96x64xf32, #tpu.memory_space<vmem>>
      %dma_wait3A_449 = tpu.memref_squeeze %dma_wait3A_448 : memref<1x96x64xf32, #tpu.memory_space<vmem>> -> memref<96x64xf32, #tpu.memory_space<vmem>>
      tpu.wait_dma2 semaphore(%arg8 : memref<!tpu.dma_semaphore, #tpu.memory_space<semaphore_mem>>) src(%dma_wait3A_449 : memref<96x64xf32, #tpu.memory_space<vmem>>) dst(%dma_wait3A_445 : memref<96x64xf32, #tpu.memory_space<hbm>>)
      %dma_wait3A_450 = arith.constant 4 : i32
      %dma_wait3A_451 = arith.constant 0 : i32
      %dma_wait3A_452 = arith.constant 0 : i32
      %dma_wait3A_453 = tpu.memref_slice %arg6[%dma_wait3A_450, %dma_wait3A_451, %dma_wait3A_452] : memref<8x104x64xf32, #tpu.memory_space<vmem>> -> memref<1x96x64xf32, #tpu.memory_space<vmem>>
      %dma_wait3A_454 = tpu.memref_squeeze %dma_wait3A_453 : memref<1x96x64xf32, #tpu.memory_space<vmem>> -> memref<96x64xf32, #tpu.memory_space<vmem>>
      %dma_wait3A_455 = arith.constant 104 : i32
      %dma_wait3A_456 = arith.constant 0 : i32
      %dma_wait3A_457 = tpu.memref_slice %arg4[%add3A_271, %dma_wait3A_455, %dma_wait3A_456] : memref<4096x200x64xf32, #tpu.memory_space<hbm>> -> memref<1x96x64xf32, #tpu.memory_space<hbm>>
      %dma_wait3A_458 = tpu.memref_squeeze %dma_wait3A_457 : memref<1x96x64xf32, #tpu.memory_space<hbm>> -> memref<96x64xf32, #tpu.memory_space<hbm>>
      %dma_wait3A_459 = arith.constant 104 : i32
      %dma_wait3A_460 = arith.constant 0 : i32
      %dma_wait3A_461 = tpu.memref_slice %arg4[%add3A_271, %dma_wait3A_459, %dma_wait3A_460] : memref<4096x200x64xf32, #tpu.memory_space<hbm>> -> memref<1x96x64xf32, #tpu.memory_space<hbm>>
      %dma_wait3A_462 = tpu.memref_squeeze %dma_wait3A_461 : memref<1x96x64xf32, #tpu.memory_space<hbm>> -> memref<96x64xf32, #tpu.memory_space<hbm>>
      %dma_wait3A_463 = arith.constant 0 : i32
      %dma_wait3A_464 = arith.constant 0 : i32
      %dma_wait3A_465 = tpu.memref_slice %arg6[%dma_wait3A_450, %dma_wait3A_463, %dma_wait3A_464] : memref<8x104x64xf32, #tpu.memory_space<vmem>> -> memref<1x96x64xf32, #tpu.memory_space<vmem>>
      %dma_wait3A_466 = tpu.memref_squeeze %dma_wait3A_465 : memref<1x96x64xf32, #tpu.memory_space<vmem>> -> memref<96x64xf32, #tpu.memory_space<vmem>>
      tpu.wait_dma2 semaphore(%arg8 : memref<!tpu.dma_semaphore, #tpu.memory_space<semaphore_mem>>) src(%dma_wait3A_466 : memref<96x64xf32, #tpu.memory_space<vmem>>) dst(%dma_wait3A_462 : memref<96x64xf32, #tpu.memory_space<hbm>>)
      %dma_wait3A_467 = arith.constant 5 : i32
      %dma_wait3A_468 = arith.constant 0 : i32
      %dma_wait3A_469 = arith.constant 0 : i32
      %dma_wait3A_470 = tpu.memref_slice %arg6[%dma_wait3A_467, %dma_wait3A_468, %dma_wait3A_469] : memref<8x104x64xf32, #tpu.memory_space<vmem>> -> memref<1x96x64xf32, #tpu.memory_space<vmem>>
      %dma_wait3A_471 = tpu.memref_squeeze %dma_wait3A_470 : memref<1x96x64xf32, #tpu.memory_space<vmem>> -> memref<96x64xf32, #tpu.memory_space<vmem>>
      %dma_wait3A_472 = arith.constant 104 : i32
      %dma_wait3A_473 = arith.constant 0 : i32
      %dma_wait3A_474 = tpu.memref_slice %arg4[%add3A_302, %dma_wait3A_472, %dma_wait3A_473] : memref<4096x200x64xf32, #tpu.memory_space<hbm>> -> memref<1x96x64xf32, #tpu.memory_space<hbm>>
      %dma_wait3A_475 = tpu.memref_squeeze %dma_wait3A_474 : memref<1x96x64xf32, #tpu.memory_space<hbm>> -> memref<96x64xf32, #tpu.memory_space<hbm>>
      %dma_wait3A_476 = arith.constant 104 : i32
      %dma_wait3A_477 = arith.constant 0 : i32
      %dma_wait3A_478 = tpu.memref_slice %arg4[%add3A_302, %dma_wait3A_476, %dma_wait3A_477] : memref<4096x200x64xf32, #tpu.memory_space<hbm>> -> memref<1x96x64xf32, #tpu.memory_space<hbm>>
      %dma_wait3A_479 = tpu.memref_squeeze %dma_wait3A_478 : memref<1x96x64xf32, #tpu.memory_space<hbm>> -> memref<96x64xf32, #tpu.memory_space<hbm>>
      %dma_wait3A_480 = arith.constant 0 : i32
      %dma_wait3A_481 = arith.constant 0 : i32
      %dma_wait3A_482 = tpu.memref_slice %arg6[%dma_wait3A_467, %dma_wait3A_480, %dma_wait3A_481] : memref<8x104x64xf32, #tpu.memory_space<vmem>> -> memref<1x96x64xf32, #tpu.memory_space<vmem>>
      %dma_wait3A_483 = tpu.memref_squeeze %dma_wait3A_482 : memref<1x96x64xf32, #tpu.memory_space<vmem>> -> memref<96x64xf32, #tpu.memory_space<vmem>>
      tpu.wait_dma2 semaphore(%arg8 : memref<!tpu.dma_semaphore, #tpu.memory_space<semaphore_mem>>) src(%dma_wait3A_483 : memref<96x64xf32, #tpu.memory_space<vmem>>) dst(%dma_wait3A_479 : memref<96x64xf32, #tpu.memory_space<hbm>>)
      %dma_wait3A_484 = arith.constant 6 : i32
      %dma_wait3A_485 = arith.constant 0 : i32
      %dma_wait3A_486 = arith.constant 0 : i32
      %dma_wait3A_487 = tpu.memref_slice %arg6[%dma_wait3A_484, %dma_wait3A_485, %dma_wait3A_486] : memref<8x104x64xf32, #tpu.memory_space<vmem>> -> memref<1x96x64xf32, #tpu.memory_space<vmem>>
      %dma_wait3A_488 = tpu.memref_squeeze %dma_wait3A_487 : memref<1x96x64xf32, #tpu.memory_space<vmem>> -> memref<96x64xf32, #tpu.memory_space<vmem>>
      %dma_wait3A_489 = arith.constant 104 : i32
      %dma_wait3A_490 = arith.constant 0 : i32
      %dma_wait3A_491 = tpu.memref_slice %arg4[%add3A_333, %dma_wait3A_489, %dma_wait3A_490] : memref<4096x200x64xf32, #tpu.memory_space<hbm>> -> memref<1x96x64xf32, #tpu.memory_space<hbm>>
      %dma_wait3A_492 = tpu.memref_squeeze %dma_wait3A_491 : memref<1x96x64xf32, #tpu.memory_space<hbm>> -> memref<96x64xf32, #tpu.memory_space<hbm>>
      %dma_wait3A_493 = arith.constant 104 : i32
      %dma_wait3A_494 = arith.constant 0 : i32
      %dma_wait3A_495 = tpu.memref_slice %arg4[%add3A_333, %dma_wait3A_493, %dma_wait3A_494] : memref<4096x200x64xf32, #tpu.memory_space<hbm>> -> memref<1x96x64xf32, #tpu.memory_space<hbm>>
      %dma_wait3A_496 = tpu.memref_squeeze %dma_wait3A_495 : memref<1x96x64xf32, #tpu.memory_space<hbm>> -> memref<96x64xf32, #tpu.memory_space<hbm>>
      %dma_wait3A_497 = arith.constant 0 : i32
      %dma_wait3A_498 = arith.constant 0 : i32
      %dma_wait3A_499 = tpu.memref_slice %arg6[%dma_wait3A_484, %dma_wait3A_497, %dma_wait3A_498] : memref<8x104x64xf32, #tpu.memory_space<vmem>> -> memref<1x96x64xf32, #tpu.memory_space<vmem>>
      %dma_wait3A_500 = tpu.memref_squeeze %dma_wait3A_499 : memref<1x96x64xf32, #tpu.memory_space<vmem>> -> memref<96x64xf32, #tpu.memory_space<vmem>>
      tpu.wait_dma2 semaphore(%arg8 : memref<!tpu.dma_semaphore, #tpu.memory_space<semaphore_mem>>) src(%dma_wait3A_500 : memref<96x64xf32, #tpu.memory_space<vmem>>) dst(%dma_wait3A_496 : memref<96x64xf32, #tpu.memory_space<hbm>>)
      %dma_wait3A_501 = arith.constant 7 : i32
      %dma_wait3A_502 = arith.constant 0 : i32
      %dma_wait3A_503 = arith.constant 0 : i32
      %dma_wait3A_504 = tpu.memref_slice %arg6[%dma_wait3A_501, %dma_wait3A_502, %dma_wait3A_503] : memref<8x104x64xf32, #tpu.memory_space<vmem>> -> memref<1x96x64xf32, #tpu.memory_space<vmem>>
      %dma_wait3A_505 = tpu.memref_squeeze %dma_wait3A_504 : memref<1x96x64xf32, #tpu.memory_space<vmem>> -> memref<96x64xf32, #tpu.memory_space<vmem>>
      %dma_wait3A_506 = arith.constant 104 : i32
      %dma_wait3A_507 = arith.constant 0 : i32
      %dma_wait3A_508 = tpu.memref_slice %arg4[%add3A_364, %dma_wait3A_506, %dma_wait3A_507] : memref<4096x200x64xf32, #tpu.memory_space<hbm>> -> memref<1x96x64xf32, #tpu.memory_space<hbm>>
      %dma_wait3A_509 = tpu.memref_squeeze %dma_wait3A_508 : memref<1x96x64xf32, #tpu.memory_space<hbm>> -> memref<96x64xf32, #tpu.memory_space<hbm>>
      %dma_wait3A_510 = arith.constant 104 : i32
      %dma_wait3A_511 = arith.constant 0 : i32
      %dma_wait3A_512 = tpu.memref_slice %arg4[%add3A_364, %dma_wait3A_510, %dma_wait3A_511] : memref<4096x200x64xf32, #tpu.memory_space<hbm>> -> memref<1x96x64xf32, #tpu.memory_space<hbm>>
      %dma_wait3A_513 = tpu.memref_squeeze %dma_wait3A_512 : memref<1x96x64xf32, #tpu.memory_space<hbm>> -> memref<96x64xf32, #tpu.memory_space<hbm>>
      %dma_wait3A_514 = arith.constant 0 : i32
      %dma_wait3A_515 = arith.constant 0 : i32
      %dma_wait3A_516 = tpu.memref_slice %arg6[%dma_wait3A_501, %dma_wait3A_514, %dma_wait3A_515] : memref<8x104x64xf32, #tpu.memory_space<vmem>> -> memref<1x96x64xf32, #tpu.memory_space<vmem>>
      %dma_wait3A_517 = tpu.memref_squeeze %dma_wait3A_516 : memref<1x96x64xf32, #tpu.memory_space<vmem>> -> memref<96x64xf32, #tpu.memory_space<vmem>>
      tpu.wait_dma2 semaphore(%arg8 : memref<!tpu.dma_semaphore, #tpu.memory_space<semaphore_mem>>) src(%dma_wait3A_517 : memref<96x64xf32, #tpu.memory_space<vmem>>) dst(%dma_wait3A_513 : memref<96x64xf32, #tpu.memory_space<hbm>>)
    }
    %scan3A_12 = arith.constant 16 : i32
    return
  }
}

module attributes {stable_mosaic.version = 14 : i64} {
  func.func @_pack_body(%arg0: i32, %arg1: memref<20x200x512xi32, #tpu.memory_space<vmem>>, %arg2: memref<2x512x128xi32, #tpu.memory_space<vmem>>) attributes {dimension_semantics = [#tpu.dimension_semantics<arbitrary>], iteration_bounds = array<i64: 8>, scalar_prefetch = 0 : i64, scratch_operands = 0 : i64, tpu.core_type = #tpu.core_type<tc>, window_params = [{transform_indices = @transform_0, window_bounds = array<i64: 20, 200, 512>}, {transform_indices = @transform_1, window_bounds = array<i64: 2, 512, 128>}]} {
    %get3A = arith.constant 0 : index
    %get3A_0 = arith.constant 0 : index
    %get3A_1 = arith.constant 0 : index
    %get3A_2 = vector.load %arg1[%get3A, %get3A_0, %get3A_1] : memref<20x200x512xi32, #tpu.memory_space<vmem>>, vector<20x200x512xi32>
    %iota3A = tpu.iota {dimensions = array<i32: 1>} : vector<1x20xi32>
    %iota3A_3 = vector.shape_cast %iota3A : vector<1x20xi32> to vector<20xi32>
    %shift_left3A = arith.constant 1 : i32
    %shift_left3A_4 = vector.broadcast %shift_left3A : i32 to vector<20xi32>
    %shift_left3A_5 = arith.shli %shift_left3A_4, %iota3A_3 : vector<20xi32>
    %broadcast_in_dim3A = vector.shape_cast %shift_left3A_5 : vector<20xi32> to vector<20x1x1xi32>
    %mul3A = vector.broadcast %broadcast_in_dim3A : vector<20x1x1xi32> to vector<20x200x512xi32>
    %mul3A_6 = arith.muli %get3A_2, %mul3A : vector<20x200x512xi32>
    %reduce_sum3A = arith.constant dense<0> : vector<200x512xi32>
    %reduce_sum3A_7 = vector.multi_reduction <add>, %mul3A_6, %reduce_sum3A [0] : vector<20x200x512xi32> to vector<200x512xi32>
    %slice3A = vector.extract_strided_slice %reduce_sum3A_7 {offsets = [0, 0], sizes = [104, 512], strides = [1, 1]} : vector<200x512xi32> to vector<104x512xi32>
    %jit3A = arith.constant 0 : i32
    %pad3A = vector.broadcast %jit3A : i32 to vector<24x512xi32>
    %pad3A_8 = tpu.concatenate %slice3A, %pad3A in 0 : vector<104x512xi32>, vector<24x512xi32> -> vector<128x512xi32>
    %slice3A_9 = vector.extract_strided_slice %reduce_sum3A_7 {offsets = [104, 0], sizes = [96, 512], strides = [1, 1]} : vector<200x512xi32> to vector<96x512xi32>
    %jit3A_10 = arith.constant 0 : i32
    %pad3A_11 = vector.broadcast %jit3A_10 : i32 to vector<32x512xi32>
    %pad3A_12 = tpu.concatenate %slice3A_9, %pad3A_11 in 0 : vector<96x512xi32>, vector<32x512xi32> -> vector<128x512xi32>
    %transpose3A = tpu.transpose %pad3A_8, [1, 0] : vector<128x512xi32> -> vector<512x128xi32>
    %transpose3A_13 = tpu.transpose %pad3A_12, [1, 0] : vector<128x512xi32> -> vector<512x128xi32>
    %stack3A = vector.shape_cast %transpose3A : vector<512x128xi32> to vector<1x512x128xi32>
    %stack3A_14 = vector.shape_cast %transpose3A_13 : vector<512x128xi32> to vector<1x512x128xi32>
    %stack3A_15 = tpu.concatenate %stack3A, %stack3A_14 in 0 : vector<1x512x128xi32>, vector<1x512x128xi32> -> vector<2x512x128xi32>
    %swap3A = arith.constant 0 : index
    %swap3A_16 = arith.constant 0 : index
    %swap3A_17 = arith.constant 0 : index
    %swap3A_18 = vector.load %arg2[%swap3A, %swap3A_16, %swap3A_17] : memref<2x512x128xi32, #tpu.memory_space<vmem>>, vector<2x512x128xi32>
    tpu.vector_store %arg2[%swap3A, %swap3A_16, %swap3A_17], %stack3A_15 {strides = array<i32>} : memref<2x512x128xi32, #tpu.memory_space<vmem>>, vector<2x512x128xi32>,
    return
  }
  func.func @transform_0(%arg0: i32) -> (i32, i32, i32) {
    %c0_i32 = arith.constant 0 : i32
    %c0_i32_0 = arith.constant 0 : i32
    %c0_i32_1 = arith.constant 0 : i32
    return %c0_i32, %c0_i32_0, %arg0 : i32, i32, i32
  }
  func.func @transform_1(%arg0: i32) -> (i32, i32, i32) {
    %c0_i32 = arith.constant 0 : i32
    %c0_i32_0 = arith.constant 0 : i32
    %c0_i32_1 = arith.constant 0 : i32
    return %c0_i32, %arg0, %c0_i32_0 : i32, i32, i32
  }
}

</mosaic_0001>

<sc_bundles>
// kernel: kernel.4.cloned.1.call-start
scs
__scs_entry_jumppad:
0x0: {  	(pc) =	sbr.rel $0x88, $3  }
0x1: {  	(tag) =	ssettag $0x0;
	lr =	simm.s32 $0x1  }
0x2: {  	[smem:$0x3F9F] =	sst lr;
	_ =	strace $0xD0000000  }
0x3: {  	_ = 	snop  }
0x4: {  	_ = 	snop  }
0x5: {  	_ = 	snop  }
0x6: {  	_ = 	snop  }
0x7: {  	_ = 	snop  }
__scs_overlays_trampoline_lowered:
0x8: {  	[smem:$0x3FAE] =	sst s0  }
0x9: {  	[smem:$0x3FAF] =	sst s1  }
0xa: {  	[smem:$0x3FB0] =	sst s2  }
0xb: {  	[smem:$0x3FB1] =	sst s3  }
0xc: {  	[smem:$0x3FB2] =	sst s4  }
0xd: {  	[smem:$0x3FB3] =	sst s5  }
0xe: {  	[smem:$0x3FB4] =	sst s6  }
0xf: {  	[smem:$0x3FB5] =	sst s7  }
0x10: {  	[smem:$0x3FB6] =	sst s8  }
0x11: {  	[smem:$0x3FB7] =	sst s9;
	s0 =	simm.s32 @!p0 $0x0  }
0x12: {  	s1 =	sld [smem:$0x3F9D];
	s0 =	simm.s32 @p0 $0x1  }
0x13: {  	[smem:$0x3FB8] =	sst s0;
	s0 =	simm.s32 @!p1 $0x0  }
0x14: {  	s2 =	sld [smem:$0x3F9C];
	s0 =	simm.s32 @p1 $0x1  }
0x15: {  	[smem:$0x3FB9] =	sst s0;
	s0 =	simm.s32 @!p2 $0x0  }
0x16: {  	s3 =	sld [smem:$0x3FDB];
	s0 =	simm.s32 @p2 $0x1  }
0x17: {  	s4 =	simm.s32 $0x1BF5;
	[smem:$0x3FBB] =	sst s0  }
0x18: {  	s0 =	sld [smem:$0x3F9E];
	_ =	swait.ge [sflag:s4], $0x0  }
0x19: {  	s7 =	sld [smem:$0x3F9F]  }
0x1a: {  	s8 =	sadd.s32 $0xFFFFE003, lr  }
0x1b: {  	s9 =	sadd.s32 $0xFFFFFEF7, lr;
	s5 =	simm.s32 $0xFFFFFFFF;
	p2 =	slt.u32 s8, $0xFFFFF086  }
0x1c: {  	p1 =	slt.u32 s9, $0xF7A;
	s5 =	simm.s32 @!p2 $0x0  }
0x1d: {  	s5 =	simm.s32 @p1 $0x1;
	p0 =	seq.s32 s7, s2  }
0x1e: {  	s7 =	smul.u32 @!p0 $0xF7A, s2;
	p2 =	seq.s32 @!p0 s5, $0x0  }
0x1f: {  	s9 =	smul.u32 $0xF7A, s1;
	s8 =	simm.s32 @!p0 $0x1BF5;
	p2 =	por !p2, p0  }
0x20: {  	[sflag:s8] =	ssyncset.s32 @!p0 $0xFFFFF086;
	s6 =	sadd.s32 @!p0 s3, s7;
	s7 =	simm.s32 @!p0 $0x108  }
0x21: {  	s3 =	sadd.s32 s3, s9;
	s6 =	sadd.s32 @!p0 $0x88, s6;
	s7 =	simm.s32 @p2 $0x1082  }
0x22: {  	[simem:s7], [sflag:s8] =	dma.local @!p0 [hbm:s6], $0xF7A  }
0x23: {  	s9 =	sor.u32 $0xD0000000, s2;
	s6 =	simm.s32 $0x108;
	_ =	swait.ge @!p0 [sflag:s8], $0x0  }
0x24: {  	s3 =	sadd.s32 $0x88, s3;
	s6 =	simm.s32 @!p1 $0x1082;
	[sflag:s4] =	ssyncset.s32 $0xFFFFF086  }
0x25: {  	[simem:s6], [sflag:s4] =	dma.local [hbm:s3], $0xF7A  }
0x26: {  	[smem:$0x3F9F] =	sst s1;
	(tag) =	ssettag s2;
	_ =	strace s9  }
0x27: {  	s1 =	sld [smem:$0x3FAF]  }
0x28: {  	s2 =	sld [smem:$0x3FB0]  }
0x29: {  	s4 =	sld [smem:$0x3FB2]  }
0x2a: {  	p0 =	seq.s32 s5, $0x0;
	s5 =	sld [smem:$0x3FB3]  }
0x2b: {  	s6 =	sld [smem:$0x3FB4]  }
0x2c: {  	s7 =	sld [smem:$0x3FB5]  }
0x2d: {  	s3 =	simm.s32 $0x108;
	s8 =	sld [smem:$0x3FB6]  }
0x2e: {  	s3 =	simm.s32 @!p0 $0x1082;
	s9 =	sld [smem:$0x3FB7]  }
0x2f: {  	lr =	sadd.s32 s0, s3;
	s0 =	sld [smem:$0x3FAE]  }
0x30: {  	s3 =	sld [smem:$0x3FB1]  }
0x31: {  	[smem:$0x3FBA] =	sst s10  }
0x32: {  	s10 =	sld [smem:$0x3FB8];
	_ =	sdelay $0x3  }
0x33: {  	p0 =	seq.s32 s10, $0x1;
	s10 =	sld [smem:$0x3FBA];
	_ =	sdelay $0x3  }
0x34: {  	[smem:$0x3FBA] =	sst s10  }
0x35: {  	s10 =	sld [smem:$0x3FB9];
	_ =	sdelay $0x3  }
0x36: {  	p1 =	seq.s32 s10, $0x1;
	s10 =	sld [smem:$0x3FBA];
	_ =	sdelay $0x3  }
0x37: {  	[smem:$0x3FBA] =	sst s10  }
0x38: {  	s10 =	sld [smem:$0x3FBB]  }
0x39: {  	_ = 	snop;
	(pc) =	sbr.ind lr, $3  }
0x3a: {  	_ = 	snop  }
0x3b: {  	_ = 	snop  }
0x3c: {  	p2 =	seq.s32 s10, $0x1;
	s10 =	sld [smem:$0x3FBA]  }
0x3d: {  	_ =	shalt  }
0x3e: {  	_ =	shalt  }
0x3f: {  	_ =	shalt  }
0x40: {  	_ =	shalt  }
0x41: {  	_ =	shalt  }
0x42: {  	_ =	shalt  }
0x43: {  	_ =	shalt  }
0x44: {  	_ =	shalt  }
0x45: {  	_ =	shalt  }
0x46: {  	_ =	shalt  }
0x47: {  	_ =	shalt  }
0x48: {  	_ =	shalt  }
0x49: {  	_ =	shalt  }
0x4a: {  	_ =	shalt  }
0x4b: {  	_ =	shalt  }
0x4c: {  	_ =	shalt  }
0x4d: {  	_ =	shalt  }
0x4e: {  	_ =	shalt  }
0x4f: {  	_ =	shalt  }
0x50: {  	_ =	shalt  }
0x51: {  	_ =	shalt  }
0x52: {  	_ =	shalt  }
0x53: {  	_ =	shalt  }
0x54: {  	_ =	shalt  }
0x55: {  	_ =	shalt  }
0x56: {  	_ =	shalt  }
0x57: {  	_ =	shalt  }
0x58: {  	_ =	shalt  }
0x59: {  	_ =	shalt  }
0x5a: {  	_ =	shalt  }
0x5b: {  	_ =	shalt  }
0x5c: {  	_ =	shalt  }
0x5d: {  	_ =	shalt  }
0x5e: {  	_ =	shalt  }
0x5f: {  	_ =	shalt  }
0x60: {  	_ =	shalt  }
0x61: {  	_ =	shalt  }
0x62: {  	_ =	shalt  }
0x63: {  	_ =	shalt  }
0x64: {  	_ =	shalt  }
0x65: {  	_ =	shalt  }
0x66: {  	_ =	shalt  }
0x67: {  	_ =	shalt  }
0x68: {  	_ =	shalt  }
0x69: {  	_ =	shalt  }
0x6a: {  	_ =	shalt  }
0x6b: {  	_ =	shalt  }
0x6c: {  	_ =	shalt  }
0x6d: {  	_ =	shalt  }
0x6e: {  	_ =	shalt  }
0x6f: {  	_ =	shalt  }
0x70: {  	_ =	shalt  }
0x71: {  	_ =	shalt  }
0x72: {  	_ =	shalt  }
0x73: {  	_ =	shalt  }
0x74: {  	_ =	shalt  }
0x75: {  	_ =	shalt  }
0x76: {  	_ =	shalt  }
0x77: {  	_ =	shalt  }
0x78: {  	_ =	shalt  }
0x79: {  	_ =	shalt  }
0x7a: {  	_ =	shalt  }
0x7b: {  	_ =	shalt  }
0x7c: {  	_ =	shalt  }
0x7d: {  	_ =	shalt  }
0x7e: {  	_ =	shalt  }
0x7f: {  	_ =	shalt  }
0x80: {  	_ =	shalt  }
0x81: {  	_ =	shalt  }
0x82: {  	_ =	shalt  }
0x83: {  	_ =	shalt  }
0x84: {  	_ =	shalt  }
0x85: {  	_ =	shalt  }
0x86: {  	_ =	shalt  }
0x87: {  	_ =	shalt  }
.Lfunc_end0:
.L_simem_size_0:
called_computation.1_lowered:
.L_overlay_start_0:
0x88: {  	s2 =	sld [smem:$0x3FD9]  }
0x89: {  	s3 =	sld [smem:$0x3FFE];
	_ =	sdelay $0x1  }
0x8a: {  	s1 =	srdreg.scid  }
0x8b: {  	s0 =	sand.u32 $0x1, s1  }
0x8c: {  	s17 =	sshll.u32 s0, $0xA;
	s2 =	sadd.s32 s3, s2  }
0x8d: {  	s2 =	sadd.s32 s2, s17  }
0x8e: {  	[smem:$0x3FC6] =	sst s2  }
0x8f: {  	_ = 	snop  }
0x90: {  	s2 =	sld [smem:$0x3FD0];
	(tm) =	ssettm $0x1  }
0x91: {  	s18 =	sld [smem:$0x3FFB];
	_ =	sdelay $0x3  }
0x92: {  	_ =	strace s18  }
0x93: {  	s3 =	sld [smem:$0x3FFC];
	_ =	sdelay $0x3  }
0x94: {  	_ =	strace s3  }
0x95: {  	s3 =	sld [smem:$0x3FFD];
	_ =	sdelay $0x3  }
0x96: {  	_ =	strace s3  }
0x97: {  	_ =	strace $0x8FFFFFFF  }
0x98: {  	s19 =	sld [smem:$0x3FDB];
	_ =	sdelay $0x1  }
0x99: {  	s4 =	simm.s32 $_scs_section_size  }
0x9a: {  	s5 =	simm.s32 $_size__tile_overlayer_lowered;
	s6 =	simm.s32 $_tile_overlayer_lowered  }
0x9b: {  	s22 =	simm.s32 $0x1BFF;
	s21 =	sshll.u32 s6, $0x1;
	s3 =	sadd.s32 s4, s19  }
0x9c: {  	s7 =	simm.s32 $0x0;
	s20 =	sshll.u32 s5, $0x1;
	s5 =	sadd.s32 s21, s3  }
0x9d: {  	[timem:s7], [sflag:s22] =	dma.local [hbm:s5], s20  }
0x9e: {  	_ =	swait.ge [sflag:s22], s20  }
0x9f: {  	s4 =	ssub.s32 $0x0, s20;
	[sflag:s22] =	ssyncset.done $0x0  }
0xa0: {  	[sflag:s22] =	ssyncadd.s32 s4;
	_ =	sdelay $0x1  }
0xa1: {  	s23 =	simm.s32 $0x1B8B  }
0xa2: {  	_ =	swait.ge [sflag:s23], $0x1  }
0xa3: {  	[sflag:s23] =	ssyncset.done $0x0  }
0xa4: {  	s25 =	simm.s32 $0x1B8E;
	s24 =	sld [smem:$0x3FFE];
	[sflag:s23] =	ssyncadd.s32 $0xFFFFFFFF  }
0xa5: {  	s26 =	simm.s32 $execute0_lowered;
	[smem:$0x3FD2] =	sst s25  }
0xa6: {  	s5 =	sshll.u32 s26, $0x1;
	_ =	strace $0x80000046;
	[dreg:$0x1] =	wrdreg $0xFFFFFFFF  }
0xa7: {  	s28 =	simm.s32 $_size_execute0_lowered;
	s3 =	sadd.s32 s3, s5;
	[dreg:$0x0] =	wrdreg $0x0  }
0xa8: {  	s5 =	sshll.u32 s28, $0x1;
	[dreg:$0x2] =	wrdreg s3  }
0xa9: {  	[dreg:$0x3] =	wrdreg s5  }
0xaa: {  	[dreg:$0x4] =	wrdreg $0xC0  }
0xab: {  	_ =	task [dreg:s7], $0x5FFFF  }
0xac: {  	[dreg:$0x1] =	wrdreg $0xFFFFFFFF  }
0xad: {  	[dreg:$0x0] =	wrdreg $0x60  }
0xae: {  	[dreg:$0x2] =	wrdreg s24  }
0xaf: {  	[dreg:$0x3] =	wrdreg s2  }
0xb0: {  	[dreg:$0x4] =	wrdreg $0x9  }
0xb1: {  	_ =	task.clear_ibuf [dreg:s7], $0x5FFFF;
	_ =	strace $0x90000046  }
0xb2: {  	s29 =	simm.s32 $0x9;
	_ =	strace $0x80000048  }
0xb3: {  	_ =	swait.ge [sflag:s29], $0x1  }
0xb4: {  	[sflag:s29] =	ssyncadd.s32 $0xFFFFFFFF  }
0xb5: {  	_ =	strace $0x90000048  }
0xb6: {  	_ =	sfence  }
0xb7: {  	s30 =	sld [smem:$0x0];
	_ =	sdelay $0x2  }
0xb8: {  	s31 =	sshll.u32 s1, $0xD;
	s1 =	sshrl.u32 s1, $0x2  }
0xb9: {  	s3 =	sand.u32 $0x4000, s31;
	s1 =	sadd.s32 s1, s30  }
0xba: {  	s0 =	sor.u32 s3, s0;
	s1 =	sshll.u32 s1, $0x11  }
0xbb: {  	s0 =	sor.u32 s1, s0  }
0xbc: {  	s0 =	sadd.s32 $0x8F2B, s0  }
0xbd: {  	[sflag:s0] =	ssyncadd.remote.s32 $0x1  }
0xbe: {  	_ =	sfence.sel $0xFFFF  }
0xbf: {  	[dreg:$0x0] =	wrdreg $0xFFFFFFFF;
	(pc) =	sbr.abs _section_cstart, $3  }
0xc0: {  	[dreg:$0x1] =	wrdreg $0xFFFFFFFF  }
0xc1: {  	_ =	task.clear_ibuf [dreg:s7], $0x2FFFF;
	_ =	strace $0x9FFFFFFF  }
0xc2: {  	(tm) =	ssettm $0x7FFFFFFF  }
0xc3: {  	_ =	shalt  }
tec
execute0_lowered:
.L_overlay_start_1:
0x0: {  	(tag) =	ssettag $0x1  }
0x1: {  	s4 =	rddreg [dreg:$0x0]  }
0x2: {  	s2 =	rddreg [dreg:$0x1]  }
0x3: {  	s0 =	rddreg [dreg:$0x2]  }
0x4: {  	s3 =	simm.s32 $0x0;
	s5 =	srdreg.scid;
	s1 =	stileid.u32  }
0x5: {  	[smem:$0x7FF] =	sst s3;
	s24 =	smul.u32 $0x320000, s1  }
0x6: {  	s6 =	sand.u32 $0x1, s5;
	s7 =	sshll.u32 s1, $0xC;
	s17 =	smul.u32 $0x64000, s1  }
0x7: {  	s8 =	sshll.u32 s6, $0xB;
	s9 =	smul.u32 $0x190000, s6;
	s25 =	ssub.s32 $0x2, s6  }
0x8: {  	_ =	strace $0x80000047;
	s7 =	sor.u32 s8, s7;
	s26 =	sshrl.u32 s25, $0x1  }
0x9: {  	s7 =	sadd.s32 s7, s4;
	s9 =	sadd.s32 s9, s24;
	s4 =	sadd.s32 $0x1000A00, s4  }
0xa: {  	s8 =	ssub.s32 s25, s26;
	s10 =	sadd.s32 $0x15E00, s9;
	s29 =	sadd.s32 $0x12C00, s9  }
0xb: {  	s31 =	sor.u32 $0xFA00, s9;
	s11 =	sor.u32 $0xC800, s9;
	s13 =	sor.u32 $0x9600, s9  }
0xc: {  	s15 =	sor.u32 $0x6400, s9;
	s5 =	sadd.s32 $0xA00, s7;
	s18 =	sadd.s32 $0x17800, s9  }
0xd: {  	s20 =	sadd.s32 $0x14600, s9;
	s22 =	sadd.s32 $0x11400, s9;
	s24 =	sor.u32 $0xE200, s9  }
0xe: {  	s26 =	sor.u32 $0xB000, s9;
	s28 =	sshrl.u32 s10, $0x3;
	s30 =	sshrl.u32 s29, $0x3  }
0xf: {  	s10 =	sshrl.u32 s31, $0x3;
	s12 =	sshrl.u32 s11, $0x3;
	[dreg:$0x3] =	wrdreg s28  }
0x10: {  	s14 =	sshrl.u32 s13, $0x3;
	s11 =	sor.u32 $0x3200, s9;
	[dreg:$0x4] =	wrdreg s30  }
0x11: {  	s19 =	sshrl.u32 s18, $0x3;
	s21 =	sshrl.u32 s20, $0x3;
	[dreg:$0x5] =	wrdreg s10  }
0x12: {  	s23 =	sshrl.u32 s22, $0x3;
	s25 =	sshrl.u32 s24, $0x3;
	[dreg:$0x6] =	wrdreg s12  }
0x13: {  	s29 =	sor.u32 $0x7E00, s9;
	s31 =	sor.u32 $0x4C00, s9;
	[dreg:$0x7] =	wrdreg s14  }
0x14: {  	s9 =	sor.u32 $0x1A00, s9;
	s13 =	simm.s32 $0x9A00;
	[dreg:$0xa] =	wrdreg s19  }
0x15: {  	s18 =	simm.s32 $0x11C00;
	s20 =	simm.s32 $0x1;
	[dreg:$0xb] =	wrdreg s21  }
0x16: {  	s22 =	simm.s32 $0x60;
	s10 =	sshrl.u32 s15, $0x3;
	[dreg:$0xc] =	wrdreg s23  }
0x17: {  	s16 =	sshrl.u32 s11, $0x3;
	s12 =	smul.u32 $0x32000, s6;
	[dreg:$0xd] =	wrdreg s25  }
0x18: {  	s28 =	sshrl.u32 s26, $0x3;
	s30 =	sshrl.u32 s29, $0x3;
	[dreg:$0x8] =	wrdreg s10  }
0x19: {  	s11 =	sshrl.u32 s31, $0x3;
	s6 =	sadd.s32 $0x10A00, s7;
	[dreg:$0x9] =	wrdreg s16  }
0x1a: {  	s9 =	sshrl.u32 s9, $0x3;
	s7 =	smax.u32 s8, $0x1;
	[dreg:$0xe] =	wrdreg s28  }
0x1b: {  	s14 =	simm.s32 $0xB400;
	s15 =	simm.s32 $0xCE00;
	[dreg:$0xf] =	wrdreg s30  }
0x1c: {  	s19 =	simm.s32 $0x13600;
	s21 =	simm.s32 $0x2;
	[dreg:$0x10] =	wrdreg s11  }
0x1d: {  	s23 =	simm.s32 $0x0;
	[dreg:$0x11] =	wrdreg s9;
	s9 =	simm.s32 $0x3  }
0x1e: {  	s10 =	simm.s32 $0x4000;
	s11 =	simm.s32 $0x68;
	s16 =	simm.s32 $0xE800  }
0x1f: {  	s8 =	sadd.s32 s12, s17;
	s12 =	simm.s32 $0x8000;
	s17 =	simm.s32 $0x10200  }
.LBB2_1:
0x20: {  	[tilespmem:s3], [sflag:$0x3] =	stream.linear.gather [hbm4b:s5+s3], $0x4000, $0x38;
	[tilespmem:$0x15000] =	vst v63  }
0x21: {  	_ =	swait.ge [sflag:s9], $0x4000  }
0x22: {  	[sflag:s9] =	ssyncset.done $0x0  }
0x23: {  	[sflag:s9] =	ssyncadd.s32 $0xFFFFC000  }
0x24: {  	[tilespmem:s10], [sflag:$0x3] =	stream.linear.gather [hbm4b:s6+s3], $0x4000, $0x38;
	[tilespmem:$0x15000] =	vst v63  }
0x25: {  	_ =	swait.ge [sflag:s9], $0x4000  }
0x26: {  	[sflag:s9] =	ssyncset.done $0x0  }
0x27: {  	s24 =	simm.s32 $0x0;
	[sflag:s9] =	ssyncadd.s32 $0xFFFFC000  }
0x28: {  	[tilespmem:s12], [sflag:$0x1] =	stream.indirect.gather [hbm4b:s4+s11], $0x40, s24, s11, $0xb8;
	[tilespmem:$0x15000] =	vst v63  }
0x29: {  	s25 =	simm.s32 $0x80  }
0x2a: {  	[tilespmem:s13], [sflag:$0x1] =	stream.indirect.gather [hbm4b:s4+s11], $0x40, s25, s11, $0xb8;
	[tilespmem:$0x15000] =	vst v63  }
0x2b: {  	s26 =	simm.s32 $0x100  }
0x2c: {  	[tilespmem:s14], [sflag:$0x1] =	stream.indirect.gather [hbm4b:s4+s11], $0x40, s26, s11, $0xb8;
	[tilespmem:$0x15000] =	vst v63  }
0x2d: {  	s28 =	simm.s32 $0x180  }
0x2e: {  	[tilespmem:s15], [sflag:$0x1] =	stream.indirect.gather [hbm4b:s4+s11], $0x40, s28, s11, $0xb8;
	[tilespmem:$0x15000] =	vst v63  }
0x2f: {  	s30 =	simm.s32 $0x200  }
0x30: {  	[tilespmem:s16], [sflag:$0x1] =	stream.indirect.gather [hbm4b:s4+s11], $0x40, s30, s11, $0xb8;
	[tilespmem:$0x15000] =	vst v63  }
0x31: {  	s31 =	simm.s32 $0x280  }
0x32: {  	[tilespmem:s17], [sflag:$0x1] =	stream.indirect.gather [hbm4b:s4+s11], $0x40, s31, s11, $0xb8;
	[tilespmem:$0x15000] =	vst v63  }
0x33: {  	s25 =	simm.s32 $0x300  }
0x34: {  	[tilespmem:s18], [sflag:$0x1] =	stream.indirect.gather [hbm4b:s4+s11], $0x40, s25, s11, $0xb8;
	[tilespmem:$0x15000] =	vst v63  }
0x35: {  	s26 =	simm.s32 $0x380  }
0x36: {  	[tilespmem:s19], [sflag:$0x1] =	stream.indirect.gather [hbm4b:s4+s11], $0x40, s26, s11, $0xb8;
	[tilespmem:$0x15000] =	vst v63  }
0x37: {  	_ =	swait.ge [sflag:s20], $0x1A00  }
0x38: {  	[sflag:s20] =	ssyncset.done $0x0  }
0x39: {  	s28 =	sadd.s32 s2, s8;
	[sflag:s20] =	ssyncadd.s32 $0xFFFFE600  }
0x3a: {  	[hbm4b:s28+s3] =	stream.linear.scatter [tilespmem:s12], [sflag:$0x2], $0x1A00, $0x38;
	[tilespmem:$0x15000] =	vst v63  }
0x3b: {  	_ =	swait.ge [sflag:s20], $0x1A00  }
0x3c: {  	s30 =	rddreg [dreg:$0x9];
	[sflag:s20] =	ssyncset.done $0x0  }
0x3d: {  	[sflag:s20] =	ssyncadd.s32 $0xFFFFE600;
	s24 =	sadd.s32 s2, s30  }
0x3e: {  	[hbm4b:s24+s3] =	stream.linear.scatter [tilespmem:s13], [sflag:$0x2], $0x1A00, $0x38;
	[tilespmem:$0x15000] =	vst v63  }
0x3f: {  	_ =	swait.ge [sflag:s20], $0x1A00  }
0x40: {  	s31 =	rddreg [dreg:$0x8];
	[sflag:s20] =	ssyncset.done $0x0  }
0x41: {  	[sflag:s20] =	ssyncadd.s32 $0xFFFFE600;
	s24 =	sadd.s32 s2, s31  }
0x42: {  	[hbm4b:s24+s3] =	stream.linear.scatter [tilespmem:s14], [sflag:$0x2], $0x1A00, $0x38;
	[tilespmem:$0x15000] =	vst v63  }
0x43: {  	_ =	swait.ge [sflag:s20], $0x1A00  }
0x44: {  	s25 =	rddreg [dreg:$0x7];
	[sflag:s20] =	ssyncset.done $0x0  }
0x45: {  	[sflag:s20] =	ssyncadd.s32 $0xFFFFE600;
	s24 =	sadd.s32 s2, s25  }
0x46: {  	[hbm4b:s24+s3] =	stream.linear.scatter [tilespmem:s15], [sflag:$0x2], $0x1A00, $0x38;
	[tilespmem:$0x15000] =	vst v63  }
0x47: {  	_ =	swait.ge [sflag:s20], $0x1A00  }
0x48: {  	s26 =	rddreg [dreg:$0x6];
	[sflag:s20] =	ssyncset.done $0x0  }
0x49: {  	[sflag:s20] =	ssyncadd.s32 $0xFFFFE600;
	s24 =	sadd.s32 s2, s26  }
0x4a: {  	[hbm4b:s24+s3] =	stream.linear.scatter [tilespmem:s16], [sflag:$0x2], $0x1A00, $0x38;
	[tilespmem:$0x15000] =	vst v63  }
0x4b: {  	_ =	swait.ge [sflag:s20], $0x1A00  }
0x4c: {  	s28 =	rddreg [dreg:$0x5];
	[sflag:s20] =	ssyncset.done $0x0  }
0x4d: {  	[sflag:s20] =	ssyncadd.s32 $0xFFFFE600;
	s24 =	sadd.s32 s2, s28  }
0x4e: {  	[hbm4b:s24+s3] =	stream.linear.scatter [tilespmem:s17], [sflag:$0x2], $0x1A00, $0x38;
	[tilespmem:$0x15000] =	vst v63  }
0x4f: {  	_ =	swait.ge [sflag:s20], $0x1A00  }
0x50: {  	s30 =	rddreg [dreg:$0x4];
	[sflag:s20] =	ssyncset.done $0x0  }
0x51: {  	[sflag:s20] =	ssyncadd.s32 $0xFFFFE600;
	s24 =	sadd.s32 s2, s30  }
0x52: {  	[hbm4b:s24+s3] =	stream.linear.scatter [tilespmem:s18], [sflag:$0x2], $0x1A00, $0x38;
	[tilespmem:$0x15000] =	vst v63  }
0x53: {  	_ =	swait.ge [sflag:s20], $0x1A00  }
0x54: {  	s31 =	rddreg [dreg:$0x3];
	[sflag:s20] =	ssyncset.done $0x0  }
0x55: {  	[sflag:s20] =	ssyncadd.s32 $0xFFFFE600;
	s24 =	sadd.s32 s2, s31  }
0x56: {  	[hbm4b:s24+s3] =	stream.linear.scatter [tilespmem:s19], [sflag:$0x2], $0x1A00, $0x38;
	[tilespmem:$0x15000] =	vst v63  }
0x57: {  	_ =	swait.ge [sflag:s21], $0x1A00  }
0x58: {  	[sflag:s21] =	ssyncset.done $0x0  }
0x59: {  	[sflag:s21] =	ssyncadd.s32 $0xFFFFE600  }
0x5a: {  	_ =	swait.ge [sflag:s21], $0x1A00  }
0x5b: {  	[sflag:s21] =	ssyncset.done $0x0  }
0x5c: {  	[sflag:s21] =	ssyncadd.s32 $0xFFFFE600  }
0x5d: {  	_ =	swait.ge [sflag:s21], $0x1A00  }
0x5e: {  	[sflag:s21] =	ssyncset.done $0x0  }
0x5f: {  	[sflag:s21] =	ssyncadd.s32 $0xFFFFE600  }
0x60: {  	_ =	swait.ge [sflag:s21], $0x1A00  }
0x61: {  	[sflag:s21] =	ssyncset.done $0x0  }
0x62: {  	[sflag:s21] =	ssyncadd.s32 $0xFFFFE600  }
0x63: {  	_ =	swait.ge [sflag:s21], $0x1A00  }
0x64: {  	[sflag:s21] =	ssyncset.done $0x0  }
0x65: {  	[sflag:s21] =	ssyncadd.s32 $0xFFFFE600  }
0x66: {  	_ =	swait.ge [sflag:s21], $0x1A00  }
0x67: {  	[sflag:s21] =	ssyncset.done $0x0  }
0x68: {  	[sflag:s21] =	ssyncadd.s32 $0xFFFFE600  }
0x69: {  	_ =	swait.ge [sflag:s21], $0x1A00  }
0x6a: {  	[sflag:s21] =	ssyncset.done $0x0  }
0x6b: {  	[sflag:s21] =	ssyncadd.s32 $0xFFFFE600  }
0x6c: {  	s29 =	simm.s32 $0x2000;
	_ =	swait.ge [sflag:s21], $0x1A00  }
0x6d: {  	s26 =	simm.s32 $0x1000;
	s24 =	sadd.s32 $0x3200, s2;
	[sflag:s21] =	ssyncset.done $0x0  }
.LBB2_2:
0x6e: {  	s25 =	sshra.s32 s26, $0x2;
	[sflag:s21] =	ssyncadd.s32 $0xFFFFE600;
	s26 =	smov.u32 s29  }
0x6f: {  	[tilespmem:s12], [sflag:$0x1] =	stream.indirect.gather [hbm4b:s4+s11], $0x40, s25, s11, $0xb8;
	[tilespmem:$0x15000] =	vst v63  }
0x70: {  	s28 =	sadd.s32 $0x1000, s29;
	p0 =	sne.s32 s29, $0xF000;
	s29 =	sadd.s32 $0x80, s25  }
0x71: {  	[tilespmem:s13], [sflag:$0x1] =	stream.indirect.gather [hbm4b:s4+s11], $0x40, s29, s11, $0xb8;
	[tilespmem:$0x15000] =	vst v63  }
0x72: {  	s29 =	sadd.s32 $0x100, s25  }
0x73: {  	[tilespmem:s14], [sflag:$0x1] =	stream.indirect.gather [hbm4b:s4+s11], $0x40, s29, s11, $0xb8;
	[tilespmem:$0x15000] =	vst v63  }
0x74: {  	s29 =	sadd.s32 $0x180, s25  }
0x75: {  	[tilespmem:s15], [sflag:$0x1] =	stream.indirect.gather [hbm4b:s4+s11], $0x40, s29, s11, $0xb8;
	[tilespmem:$0x15000] =	vst v63  }
0x76: {  	s29 =	sadd.s32 $0x200, s25  }
0x77: {  	[tilespmem:s16], [sflag:$0x1] =	stream.indirect.gather [hbm4b:s4+s11], $0x40, s29, s11, $0xb8;
	[tilespmem:$0x15000] =	vst v63  }
0x78: {  	s29 =	sadd.s32 $0x280, s25  }
0x79: {  	[tilespmem:s17], [sflag:$0x1] =	stream.indirect.gather [hbm4b:s4+s11], $0x40, s29, s11, $0xb8;
	[tilespmem:$0x15000] =	vst v63  }
0x7a: {  	s29 =	sadd.s32 $0x300, s25  }
0x7b: {  	[tilespmem:s18], [sflag:$0x1] =	stream.indirect.gather [hbm4b:s4+s11], $0x40, s29, s11, $0xb8;
	[tilespmem:$0x15000] =	vst v63  }
0x7c: {  	s25 =	sadd.s32 $0x380, s25  }
0x7d: {  	[tilespmem:s19], [sflag:$0x1] =	stream.indirect.gather [hbm4b:s4+s11], $0x40, s25, s11, $0xb8;
	[tilespmem:$0x15000] =	vst v63  }
0x7e: {  	_ =	swait.ge [sflag:s20], $0x1A00  }
0x7f: {  	[sflag:s20] =	ssyncset.done $0x0  }
0x80: {  	s29 =	sadd.s32 s24, s8;
	s25 =	simm.s32 $0x0;
	[sflag:s20] =	ssyncadd.s32 $0xFFFFE600  }
0x81: {  	[hbm4b:s29+s25] =	stream.linear.scatter [tilespmem:s12], [sflag:$0x2], $0x1A00, $0x38;
	[tilespmem:$0x15000] =	vst v63  }
0x82: {  	_ =	swait.ge [sflag:s20], $0x1A00  }
0x83: {  	s29 =	rddreg [dreg:$0x9];
	[sflag:s20] =	ssyncset.done $0x0  }
0x84: {  	[sflag:s20] =	ssyncadd.s32 $0xFFFFE600;
	s29 =	sadd.s32 s24, s29  }
0x85: {  	[hbm4b:s29+s25] =	stream.linear.scatter [tilespmem:s13], [sflag:$0x2], $0x1A00, $0x38;
	[tilespmem:$0x15000] =	vst v63  }
0x86: {  	_ =	swait.ge [sflag:s20], $0x1A00  }
0x87: {  	s29 =	rddreg [dreg:$0x8];
	[sflag:s20] =	ssyncset.done $0x0  }
0x88: {  	[sflag:s20] =	ssyncadd.s32 $0xFFFFE600;
	s29 =	sadd.s32 s24, s29  }
0x89: {  	[hbm4b:s29+s25] =	stream.linear.scatter [tilespmem:s14], [sflag:$0x2], $0x1A00, $0x38;
	[tilespmem:$0x15000] =	vst v63  }
0x8a: {  	_ =	swait.ge [sflag:s20], $0x1A00  }
0x8b: {  	s29 =	rddreg [dreg:$0x7];
	[sflag:s20] =	ssyncset.done $0x0  }
0x8c: {  	[sflag:s20] =	ssyncadd.s32 $0xFFFFE600;
	s29 =	sadd.s32 s24, s29  }
0x8d: {  	[hbm4b:s29+s25] =	stream.linear.scatter [tilespmem:s15], [sflag:$0x2], $0x1A00, $0x38;
	[tilespmem:$0x15000] =	vst v63  }
0x8e: {  	_ =	swait.ge [sflag:s20], $0x1A00  }
0x8f: {  	s29 =	rddreg [dreg:$0x6];
	[sflag:s20] =	ssyncset.done $0x0  }
0x90: {  	[sflag:s20] =	ssyncadd.s32 $0xFFFFE600;
	s29 =	sadd.s32 s24, s29  }
0x91: {  	[hbm4b:s29+s25] =	stream.linear.scatter [tilespmem:s16], [sflag:$0x2], $0x1A00, $0x38;
	[tilespmem:$0x15000] =	vst v63  }
0x92: {  	_ =	swait.ge [sflag:s20], $0x1A00  }
0x93: {  	s29 =	rddreg [dreg:$0x5];
	[sflag:s20] =	ssyncset.done $0x0  }
0x94: {  	[sflag:s20] =	ssyncadd.s32 $0xFFFFE600;
	s29 =	sadd.s32 s24, s29  }
0x95: {  	[hbm4b:s29+s25] =	stream.linear.scatter [tilespmem:s17], [sflag:$0x2], $0x1A00, $0x38;
	[tilespmem:$0x15000] =	vst v63  }
0x96: {  	_ =	swait.ge [sflag:s20], $0x1A00  }
0x97: {  	s29 =	rddreg [dreg:$0x4];
	[sflag:s20] =	ssyncset.done $0x0  }
0x98: {  	[sflag:s20] =	ssyncadd.s32 $0xFFFFE600;
	s29 =	sadd.s32 s24, s29  }
0x99: {  	[hbm4b:s29+s25] =	stream.linear.scatter [tilespmem:s18], [sflag:$0x2], $0x1A00, $0x38;
	[tilespmem:$0x15000] =	vst v63  }
0x9a: {  	_ =	swait.ge [sflag:s20], $0x1A00  }
0x9b: {  	s29 =	rddreg [dreg:$0x3];
	[sflag:s20] =	ssyncset.done $0x0  }
0x9c: {  	[sflag:s20] =	ssyncadd.s32 $0xFFFFE600;
	s29 =	sadd.s32 s24, s29  }
0x9d: {  	[hbm4b:s29+s25] =	stream.linear.scatter [tilespmem:s19], [sflag:$0x2], $0x1A00, $0x38;
	[tilespmem:$0x15000] =	vst v63  }
0x9e: {  	_ =	swait.ge [sflag:s21], $0x1A00  }
0x9f: {  	[sflag:s21] =	ssyncset.done $0x0  }
0xa0: {  	[sflag:s21] =	ssyncadd.s32 $0xFFFFE600  }
0xa1: {  	_ =	swait.ge [sflag:s21], $0x1A00  }
0xa2: {  	[sflag:s21] =	ssyncset.done $0x0  }
0xa3: {  	[sflag:s21] =	ssyncadd.s32 $0xFFFFE600  }
0xa4: {  	_ =	swait.ge [sflag:s21], $0x1A00  }
0xa5: {  	[sflag:s21] =	ssyncset.done $0x0  }
0xa6: {  	[sflag:s21] =	ssyncadd.s32 $0xFFFFE600  }
0xa7: {  	_ =	swait.ge [sflag:s21], $0x1A00  }
0xa8: {  	[sflag:s21] =	ssyncset.done $0x0  }
0xa9: {  	[sflag:s21] =	ssyncadd.s32 $0xFFFFE600  }
0xaa: {  	_ =	swait.ge [sflag:s21], $0x1A00  }
0xab: {  	[sflag:s21] =	ssyncset.done $0x0  }
0xac: {  	[sflag:s21] =	ssyncadd.s32 $0xFFFFE600  }
0xad: {  	_ =	swait.ge [sflag:s21], $0x1A00  }
0xae: {  	[sflag:s21] =	ssyncset.done $0x0  }
0xaf: {  	[sflag:s21] =	ssyncadd.s32 $0xFFFFE600  }
.Ltmp0:
0xb0: {  	_ =	swait.ge [sflag:s21], $0x1A00;
	(pc) =	sbr.rel @p0 .LBB2_2-.Ltmp0, $4  }
0xb1: {  	[sflag:s21] =	ssyncset.done $0x0  }
0xb2: {  	[sflag:s21] =	ssyncadd.s32 $0xFFFFE600  }
0xb3: {  	_ =	swait.ge [sflag:s21], $0x1A00  }
0xb4: {  	s24 =	sadd.s32 $0x3200, s24;
	s29 =	smov.u32 s28;
	[sflag:s21] =	ssyncset.done $0x0  }
0xb5: {  	s26 =	sshra.s32 s26, $0x2;
	[sflag:s21] =	ssyncadd.s32 $0xFFFFE600  }
0xb6: {  	[tilespmem:s12], [sflag:$0x1] =	stream.indirect.gather [hbm4b:s4+s11], $0x40, s26, s11, $0xb8;
	[tilespmem:$0x15000] =	vst v63  }
0xb7: {  	s28 =	sadd.s32 $0x80, s26  }
0xb8: {  	[tilespmem:s13], [sflag:$0x1] =	stream.indirect.gather [hbm4b:s4+s11], $0x40, s28, s11, $0xb8;
	[tilespmem:$0x15000] =	vst v63  }
0xb9: {  	s28 =	sadd.s32 $0x100, s26  }
0xba: {  	[tilespmem:s14], [sflag:$0x1] =	stream.indirect.gather [hbm4b:s4+s11], $0x40, s28, s11, $0xb8;
	[tilespmem:$0x15000] =	vst v63  }
0xbb: {  	s28 =	sadd.s32 $0x180, s26  }
0xbc: {  	[tilespmem:s15], [sflag:$0x1] =	stream.indirect.gather [hbm4b:s4+s11], $0x40, s28, s11, $0xb8;
	[tilespmem:$0x15000] =	vst v63  }
0xbd: {  	s28 =	sadd.s32 $0x200, s26  }
0xbe: {  	[tilespmem:s16], [sflag:$0x1] =	stream.indirect.gather [hbm4b:s4+s11], $0x40, s28, s11, $0xb8;
	[tilespmem:$0x15000] =	vst v63  }
0xbf: {  	s28 =	sadd.s32 $0x280, s26  }
0xc0: {  	[tilespmem:s17], [sflag:$0x1] =	stream.indirect.gather [hbm4b:s4+s11], $0x40, s28, s11, $0xb8;
	[tilespmem:$0x15000] =	vst v63  }
0xc1: {  	s28 =	sadd.s32 $0x300, s26  }
0xc2: {  	[tilespmem:s18], [sflag:$0x1] =	stream.indirect.gather [hbm4b:s4+s11], $0x40, s28, s11, $0xb8;
	[tilespmem:$0x15000] =	vst v63  }
0xc3: {  	s26 =	sadd.s32 $0x380, s26  }
0xc4: {  	[tilespmem:s19], [sflag:$0x1] =	stream.indirect.gather [hbm4b:s4+s11], $0x40, s26, s11, $0xb8;
	[tilespmem:$0x15000] =	vst v63  }
0xc5: {  	_ =	swait.ge [sflag:s20], $0x1A00  }
0xc6: {  	[sflag:s20] =	ssyncset.done $0x0  }
0xc7: {  	s29 =	sadd.s32 s24, s8;
	[sflag:s20] =	ssyncadd.s32 $0xFFFFE600  }
0xc8: {  	[hbm4b:s29+s25] =	stream.linear.scatter [tilespmem:s12], [sflag:$0x2], $0x1A00, $0x38;
	[tilespmem:$0x15000] =	vst v63  }
0xc9: {  	_ =	swait.ge [sflag:s20], $0x1A00  }
0xca: {  	s30 =	rddreg [dreg:$0x9];
	[sflag:s20] =	ssyncset.done $0x0  }
0xcb: {  	[sflag:s20] =	ssyncadd.s32 $0xFFFFE600;
	s26 =	sadd.s32 s24, s30  }
0xcc: {  	[hbm4b:s26+s25] =	stream.linear.scatter [tilespmem:s13], [sflag:$0x2], $0x1A00, $0x38;
	[tilespmem:$0x15000] =	vst v63  }
0xcd: {  	_ =	swait.ge [sflag:s20], $0x1A00  }
0xce: {  	s31 =	rddreg [dreg:$0x8];
	[sflag:s20] =	ssyncset.done $0x0  }
0xcf: {  	[sflag:s20] =	ssyncadd.s32 $0xFFFFE600;
	s26 =	sadd.s32 s24, s31  }
0xd0: {  	[hbm4b:s26+s25] =	stream.linear.scatter [tilespmem:s14], [sflag:$0x2], $0x1A00, $0x38;
	[tilespmem:$0x15000] =	vst v63  }
0xd1: {  	_ =	swait.ge [sflag:s20], $0x1A00  }
0xd2: {  	s29 =	rddreg [dreg:$0x7];
	[sflag:s20] =	ssyncset.done $0x0  }
0xd3: {  	[sflag:s20] =	ssyncadd.s32 $0xFFFFE600;
	s26 =	sadd.s32 s24, s29  }
0xd4: {  	[hbm4b:s26+s25] =	stream.linear.scatter [tilespmem:s15], [sflag:$0x2], $0x1A00, $0x38;
	[tilespmem:$0x15000] =	vst v63  }
0xd5: {  	_ =	swait.ge [sflag:s20], $0x1A00  }
0xd6: {  	s30 =	rddreg [dreg:$0x6];
	[sflag:s20] =	ssyncset.done $0x0  }
0xd7: {  	[sflag:s20] =	ssyncadd.s32 $0xFFFFE600;
	s26 =	sadd.s32 s24, s30  }
0xd8: {  	[hbm4b:s26+s25] =	stream.linear.scatter [tilespmem:s16], [sflag:$0x2], $0x1A00, $0x38;
	[tilespmem:$0x15000] =	vst v63  }
0xd9: {  	_ =	swait.ge [sflag:s20], $0x1A00  }
0xda: {  	s31 =	rddreg [dreg:$0x5];
	[sflag:s20] =	ssyncset.done $0x0  }
0xdb: {  	[sflag:s20] =	ssyncadd.s32 $0xFFFFE600;
	s26 =	sadd.s32 s24, s31  }
0xdc: {  	[hbm4b:s26+s25] =	stream.linear.scatter [tilespmem:s17], [sflag:$0x2], $0x1A00, $0x38;
	[tilespmem:$0x15000] =	vst v63  }
0xdd: {  	_ =	swait.ge [sflag:s20], $0x1A00  }
0xde: {  	s29 =	rddreg [dreg:$0x4];
	[sflag:s20] =	ssyncset.done $0x0  }
0xdf: {  	[sflag:s20] =	ssyncadd.s32 $0xFFFFE600;
	s26 =	sadd.s32 s24, s29  }
0xe0: {  	[hbm4b:s26+s25] =	stream.linear.scatter [tilespmem:s18], [sflag:$0x2], $0x1A00, $0x38;
	[tilespmem:$0x15000] =	vst v63  }
0xe1: {  	_ =	swait.ge [sflag:s20], $0x1A00  }
0xe2: {  	s30 =	rddreg [dreg:$0x3];
	[sflag:s20] =	ssyncset.done $0x0  }
0xe3: {  	[sflag:s20] =	ssyncadd.s32 $0xFFFFE600;
	s31 =	sadd.s32 s24, s30  }
0xe4: {  	[hbm4b:s31+s25] =	stream.linear.scatter [tilespmem:s19], [sflag:$0x2], $0x1A00, $0x38;
	[tilespmem:$0x15000] =	vst v63  }
0xe5: {  	_ =	swait.ge [sflag:s21], $0x1A00  }
0xe6: {  	[sflag:s21] =	ssyncset.done $0x0  }
0xe7: {  	[sflag:s21] =	ssyncadd.s32 $0xFFFFE600  }
0xe8: {  	_ =	swait.ge [sflag:s21], $0x1A00  }
0xe9: {  	[sflag:s21] =	ssyncset.done $0x0  }
0xea: {  	[sflag:s21] =	ssyncadd.s32 $0xFFFFE600  }
0xeb: {  	_ =	swait.ge [sflag:s21], $0x1A00  }
0xec: {  	[sflag:s21] =	ssyncset.done $0x0  }
0xed: {  	[sflag:s21] =	ssyncadd.s32 $0xFFFFE600  }
0xee: {  	_ =	swait.ge [sflag:s21], $0x1A00  }
0xef: {  	[sflag:s21] =	ssyncset.done $0x0  }
0xf0: {  	[sflag:s21] =	ssyncadd.s32 $0xFFFFE600  }
0xf1: {  	_ =	swait.ge [sflag:s21], $0x1A00  }
0xf2: {  	[sflag:s21] =	ssyncset.done $0x0  }
0xf3: {  	[sflag:s21] =	ssyncadd.s32 $0xFFFFE600  }
0xf4: {  	_ =	swait.ge [sflag:s21], $0x1A00  }
0xf5: {  	[sflag:s21] =	ssyncset.done $0x0  }
0xf6: {  	[sflag:s21] =	ssyncadd.s32 $0xFFFFE600  }
0xf7: {  	p1 =	por $0x1, $0x1;
	_ =	swait.ge [sflag:s21], $0x1A00  }
.Ltmp1:
0xf8: {  	[sflag:s21] =	ssyncset.done $0x0;
	(pc) =	sbr.rel @!p1 .LBB2_6-.Ltmp1, $4  }
0xf9: {  	[sflag:s21] =	ssyncadd.s32 $0xFFFFE600  }
0xfa: {  	_ =	swait.ge [sflag:s21], $0x1A00  }
0xfb: {  	p0 =	por $0x0, $0x0;
	[sflag:s21] =	ssyncset.done $0x0  }
0xfc: {  	s28 =	simm.s32 $0x0;
	s24 =	smov.u32 s2;
	[sflag:s21] =	ssyncadd.s32 $0xFFFFE600  }
0xfd: {  	s24 =	simm.s32 $0x4000  }
0xfe: {  	[tilespmem:s12], [sflag:$0x1] =	stream.indirect.gather [hbm4b:s4+s22], $0x40, s24, s22, $0xb8;
	[tilespmem:$0x15000] =	vst v63  }
0xff: {  	s26 =	simm.s32 $0x4080  }
0x100: {  	[tilespmem:s13], [sflag:$0x1] =	stream.indirect.gather [hbm4b:s4+s22], $0x40, s26, s22, $0xb8;
	[tilespmem:$0x15000] =	vst v63  }
0x101: {  	s30 =	simm.s32 $0x4100  }
0x102: {  	[tilespmem:s14], [sflag:$0x1] =	stream.indirect.gather [hbm4b:s4+s22], $0x40, s30, s22, $0xb8;
	[tilespmem:$0x15000] =	vst v63  }
0x103: {  	s31 =	simm.s32 $0x4180  }
0x104: {  	[tilespmem:s15], [sflag:$0x1] =	stream.indirect.gather [hbm4b:s4+s22], $0x40, s31, s22, $0xb8;
	[tilespmem:$0x15000] =	vst v63  }
0x105: {  	s25 =	simm.s32 $0x4200  }
0x106: {  	[tilespmem:s16], [sflag:$0x1] =	stream.indirect.gather [hbm4b:s4+s22], $0x40, s25, s22, $0xb8;
	[tilespmem:$0x15000] =	vst v63  }
0x107: {  	s26 =	simm.s32 $0x4280  }
0x108: {  	[tilespmem:s17], [sflag:$0x1] =	stream.indirect.gather [hbm4b:s4+s22], $0x40, s26, s22, $0xb8;
	[tilespmem:$0x15000] =	vst v63  }
0x109: {  	s30 =	simm.s32 $0x4300  }
0x10a: {  	[tilespmem:s18], [sflag:$0x1] =	stream.indirect.gather [hbm4b:s4+s22], $0x40, s30, s22, $0xb8;
	[tilespmem:$0x15000] =	vst v63  }
0x10b: {  	s31 =	simm.s32 $0x4380  }
0x10c: {  	[tilespmem:s19], [sflag:$0x1] =	stream.indirect.gather [hbm4b:s4+s22], $0x40, s31, s22, $0xb8;
	[tilespmem:$0x15000] =	vst v63  }
0x10d: {  	_ =	swait.ge [sflag:s20], $0x1800  }
0x10e: {  	s25 =	rddreg [dreg:$0x11];
	[sflag:s20] =	ssyncset.done $0x0  }
0x10f: {  	[sflag:s20] =	ssyncadd.s32 $0xFFFFE800;
	s24 =	sadd.s32 s2, s25  }
0x110: {  	[hbm4b:s24+s3] =	stream.linear.scatter [tilespmem:s12], [sflag:$0x2], $0x1800, $0x38;
	[tilespmem:$0x15000] =	vst v63  }
0x111: {  	_ =	swait.ge [sflag:s20], $0x1800  }
0x112: {  	s26 =	rddreg [dreg:$0x10];
	[sflag:s20] =	ssyncset.done $0x0  }
0x113: {  	[sflag:s20] =	ssyncadd.s32 $0xFFFFE800;
	s24 =	sadd.s32 s2, s26  }
0x114: {  	[hbm4b:s24+s3] =	stream.linear.scatter [tilespmem:s13], [sflag:$0x2], $0x1800, $0x38;
	[tilespmem:$0x15000] =	vst v63  }
0x115: {  	_ =	swait.ge [sflag:s20], $0x1800  }
0x116: {  	s30 =	rddreg [dreg:$0xf];
	[sflag:s20] =	ssyncset.done $0x0  }
0x117: {  	[sflag:s20] =	ssyncadd.s32 $0xFFFFE800;
	s24 =	sadd.s32 s2, s30  }
0x118: {  	[hbm4b:s24+s3] =	stream.linear.scatter [tilespmem:s14], [sflag:$0x2], $0x1800, $0x38;
	[tilespmem:$0x15000] =	vst v63  }
0x119: {  	_ =	swait.ge [sflag:s20], $0x1800  }
0x11a: {  	s31 =	rddreg [dreg:$0xe];
	[sflag:s20] =	ssyncset.done $0x0  }
0x11b: {  	[sflag:s20] =	ssyncadd.s32 $0xFFFFE800;
	s24 =	sadd.s32 s2, s31  }
0x11c: {  	[hbm4b:s24+s3] =	stream.linear.scatter [tilespmem:s15], [sflag:$0x2], $0x1800, $0x38;
	[tilespmem:$0x15000] =	vst v63  }
0x11d: {  	_ =	swait.ge [sflag:s20], $0x1800  }
0x11e: {  	s25 =	rddreg [dreg:$0xd];
	[sflag:s20] =	ssyncset.done $0x0  }
0x11f: {  	[sflag:s20] =	ssyncadd.s32 $0xFFFFE800;
	s24 =	sadd.s32 s2, s25  }
0x120: {  	[hbm4b:s24+s3] =	stream.linear.scatter [tilespmem:s16], [sflag:$0x2], $0x1800, $0x38;
	[tilespmem:$0x15000] =	vst v63  }
0x121: {  	_ =	swait.ge [sflag:s20], $0x1800  }
0x122: {  	s26 =	rddreg [dreg:$0xc];
	[sflag:s20] =	ssyncset.done $0x0  }
0x123: {  	[sflag:s20] =	ssyncadd.s32 $0xFFFFE800;
	s24 =	sadd.s32 s2, s26  }
0x124: {  	[hbm4b:s24+s3] =	stream.linear.scatter [tilespmem:s17], [sflag:$0x2], $0x1800, $0x38;
	[tilespmem:$0x15000] =	vst v63  }
0x125: {  	_ =	swait.ge [sflag:s20], $0x1800  }
0x126: {  	s30 =	rddreg [dreg:$0xb];
	[sflag:s20] =	ssyncset.done $0x0  }
0x127: {  	[sflag:s20] =	ssyncadd.s32 $0xFFFFE800;
	s24 =	sadd.s32 s2, s30  }
0x128: {  	[hbm4b:s24+s3] =	stream.linear.scatter [tilespmem:s18], [sflag:$0x2], $0x1800, $0x38;
	[tilespmem:$0x15000] =	vst v63  }
0x129: {  	_ =	swait.ge [sflag:s20], $0x1800  }
0x12a: {  	s31 =	rddreg [dreg:$0xa];
	[sflag:s20] =	ssyncset.done $0x0  }
0x12b: {  	[sflag:s20] =	ssyncadd.s32 $0xFFFFE800;
	s24 =	sadd.s32 s2, s31  }
0x12c: {  	[hbm4b:s24+s3] =	stream.linear.scatter [tilespmem:s19], [sflag:$0x2], $0x1800, $0x38;
	[tilespmem:$0x15000] =	vst v63  }
0x12d: {  	_ =	swait.ge [sflag:s21], $0x1800  }
0x12e: {  	[sflag:s21] =	ssyncset.done $0x0  }
0x12f: {  	[sflag:s21] =	ssyncadd.s32 $0xFFFFE800  }
0x130: {  	_ =	swait.ge [sflag:s21], $0x1800  }
0x131: {  	[sflag:s21] =	ssyncset.done $0x0  }
0x132: {  	[sflag:s21] =	ssyncadd.s32 $0xFFFFE800  }
0x133: {  	_ =	swait.ge [sflag:s21], $0x1800  }
0x134: {  	[sflag:s21] =	ssyncset.done $0x0  }
0x135: {  	[sflag:s21] =	ssyncadd.s32 $0xFFFFE800  }
0x136: {  	_ =	swait.ge [sflag:s21], $0x1800  }
0x137: {  	[sflag:s21] =	ssyncset.done $0x0  }
0x138: {  	[sflag:s21] =	ssyncadd.s32 $0xFFFFE800  }
0x139: {  	_ =	swait.ge [sflag:s21], $0x1800  }
0x13a: {  	[sflag:s21] =	ssyncset.done $0x0  }
0x13b: {  	[sflag:s21] =	ssyncadd.s32 $0xFFFFE800  }
0x13c: {  	_ =	swait.ge [sflag:s21], $0x1800  }
0x13d: {  	[sflag:s21] =	ssyncset.done $0x0  }
0x13e: {  	p1 =	por $0x1, $0x1;
	[sflag:s21] =	ssyncadd.s32 $0xFFFFE800  }
.Ltmp2:
0x13f: {  	_ =	swait.ge [sflag:s21], $0x1800;
	(pc) =	sbr.rel @!p1 .LBB2_6-.Ltmp2, $4  }
0x140: {  	[sflag:s21] =	ssyncset.done $0x0  }
0x141: {  	[sflag:s21] =	ssyncadd.s32 $0xFFFFE800  }
0x142: {  	s29 =	simm.s32 $0x2000;
	s28 =	simm.s32 $0x400;
	_ =	swait.ge [sflag:s21], $0x1800  }
0x143: {  	p0 =	por $0x1, $0x1;
	s24 =	sadd.s32 $0x3200, s2;
	[sflag:s21] =	ssyncset.done $0x0  }
.LBB2_5:
0x144: {  	s30 =	sadd.s32 $0x4000, s28;
	[sflag:s21] =	ssyncadd.s32 $0xFFFFE800;
	s26 =	smov.u32 s29  }
0x145: {  	[tilespmem:s12], [sflag:$0x1] =	stream.indirect.gather [hbm4b:s4+s22], $0x40, s30, s22, $0xb8;
	[tilespmem:$0x15000] =	vst v63  }
0x146: {  	s25 =	sadd.s32 $0x1000, s29;
	p1 =	sne.s32 s29, $0xF000;
	s29 =	sadd.s32 $0x4080, s28  }
0x147: {  	[tilespmem:s13], [sflag:$0x1] =	stream.indirect.gather [hbm4b:s4+s22], $0x40, s29, s22, $0xb8;
	[tilespmem:$0x15000] =	vst v63  }
0x148: {  	s29 =	sadd.s32 $0x4100, s28  }
0x149: {  	[tilespmem:s14], [sflag:$0x1] =	stream.indirect.gather [hbm4b:s4+s22], $0x40, s29, s22, $0xb8;
	[tilespmem:$0x15000] =	vst v63  }
0x14a: {  	s29 =	sadd.s32 $0x4180, s28  }
0x14b: {  	[tilespmem:s15], [sflag:$0x1] =	stream.indirect.gather [hbm4b:s4+s22], $0x40, s29, s22, $0xb8;
	[tilespmem:$0x15000] =	vst v63  }
0x14c: {  	s29 =	sadd.s32 $0x4200, s28  }
0x14d: {  	[tilespmem:s16], [sflag:$0x1] =	stream.indirect.gather [hbm4b:s4+s22], $0x40, s29, s22, $0xb8;
	[tilespmem:$0x15000] =	vst v63  }
0x14e: {  	s29 =	sadd.s32 $0x4280, s28  }
0x14f: {  	[tilespmem:s17], [sflag:$0x1] =	stream.indirect.gather [hbm4b:s4+s22], $0x40, s29, s22, $0xb8;
	[tilespmem:$0x15000] =	vst v63  }
0x150: {  	s29 =	sadd.s32 $0x4300, s28  }
0x151: {  	[tilespmem:s18], [sflag:$0x1] =	stream.indirect.gather [hbm4b:s4+s22], $0x40, s29, s22, $0xb8;
	[tilespmem:$0x15000] =	vst v63  }
0x152: {  	s28 =	sadd.s32 $0x4380, s28  }
0x153: {  	[tilespmem:s19], [sflag:$0x1] =	stream.indirect.gather [hbm4b:s4+s22], $0x40, s28, s22, $0xb8;
	[tilespmem:$0x15000] =	vst v63  }
0x154: {  	_ =	swait.ge [sflag:s20], $0x1800  }
0x155: {  	s28 =	rddreg [dreg:$0x11];
	[sflag:s20] =	ssyncset.done $0x0  }
0x156: {  	[sflag:s20] =	ssyncadd.s32 $0xFFFFE800;
	s28 =	sadd.s32 s24, s28  }
0x157: {  	[hbm4b:s28+s3] =	stream.linear.scatter [tilespmem:s12], [sflag:$0x2], $0x1800, $0x38;
	[tilespmem:$0x15000] =	vst v63  }
0x158: {  	_ =	swait.ge [sflag:s20], $0x1800  }
0x159: {  	s28 =	rddreg [dreg:$0x10];
	[sflag:s20] =	ssyncset.done $0x0  }
0x15a: {  	[sflag:s20] =	ssyncadd.s32 $0xFFFFE800;
	s28 =	sadd.s32 s24, s28  }
0x15b: {  	[hbm4b:s28+s3] =	stream.linear.scatter [tilespmem:s13], [sflag:$0x2], $0x1800, $0x38;
	[tilespmem:$0x15000] =	vst v63  }
0x15c: {  	_ =	swait.ge [sflag:s20], $0x1800  }
0x15d: {  	s28 =	rddreg [dreg:$0xf];
	[sflag:s20] =	ssyncset.done $0x0  }
0x15e: {  	[sflag:s20] =	ssyncadd.s32 $0xFFFFE800;
	s28 =	sadd.s32 s24, s28  }
0x15f: {  	[hbm4b:s28+s3] =	stream.linear.scatter [tilespmem:s14], [sflag:$0x2], $0x1800, $0x38;
	[tilespmem:$0x15000] =	vst v63  }
0x160: {  	_ =	swait.ge [sflag:s20], $0x1800  }
0x161: {  	s28 =	rddreg [dreg:$0xe];
	[sflag:s20] =	ssyncset.done $0x0  }
0x162: {  	[sflag:s20] =	ssyncadd.s32 $0xFFFFE800;
	s28 =	sadd.s32 s24, s28  }
0x163: {  	[hbm4b:s28+s3] =	stream.linear.scatter [tilespmem:s15], [sflag:$0x2], $0x1800, $0x38;
	[tilespmem:$0x15000] =	vst v63  }
0x164: {  	_ =	swait.ge [sflag:s20], $0x1800  }
0x165: {  	s28 =	rddreg [dreg:$0xd];
	[sflag:s20] =	ssyncset.done $0x0  }
0x166: {  	[sflag:s20] =	ssyncadd.s32 $0xFFFFE800;
	s28 =	sadd.s32 s24, s28  }
0x167: {  	[hbm4b:s28+s3] =	stream.linear.scatter [tilespmem:s16], [sflag:$0x2], $0x1800, $0x38;
	[tilespmem:$0x15000] =	vst v63  }
0x168: {  	_ =	swait.ge [sflag:s20], $0x1800  }
0x169: {  	s28 =	rddreg [dreg:$0xc];
	[sflag:s20] =	ssyncset.done $0x0  }
0x16a: {  	[sflag:s20] =	ssyncadd.s32 $0xFFFFE800;
	s28 =	sadd.s32 s24, s28  }
0x16b: {  	[hbm4b:s28+s3] =	stream.linear.scatter [tilespmem:s17], [sflag:$0x2], $0x1800, $0x38;
	[tilespmem:$0x15000] =	vst v63  }
0x16c: {  	_ =	swait.ge [sflag:s20], $0x1800  }
0x16d: {  	s28 =	rddreg [dreg:$0xb];
	[sflag:s20] =	ssyncset.done $0x0  }
0x16e: {  	[sflag:s20] =	ssyncadd.s32 $0xFFFFE800;
	s28 =	sadd.s32 s24, s28  }
0x16f: {  	[hbm4b:s28+s3] =	stream.linear.scatter [tilespmem:s18], [sflag:$0x2], $0x1800, $0x38;
	[tilespmem:$0x15000] =	vst v63  }
0x170: {  	_ =	swait.ge [sflag:s20], $0x1800  }
0x171: {  	s28 =	rddreg [dreg:$0xa];
	[sflag:s20] =	ssyncset.done $0x0  }
0x172: {  	[sflag:s20] =	ssyncadd.s32 $0xFFFFE800;
	s28 =	sadd.s32 s24, s28  }
0x173: {  	[hbm4b:s28+s3] =	stream.linear.scatter [tilespmem:s19], [sflag:$0x2], $0x1800, $0x38;
	[tilespmem:$0x15000] =	vst v63  }
0x174: {  	_ =	swait.ge [sflag:s21], $0x1800  }
0x175: {  	[sflag:s21] =	ssyncset.done $0x0  }
0x176: {  	[sflag:s21] =	ssyncadd.s32 $0xFFFFE800  }
0x177: {  	_ =	swait.ge [sflag:s21], $0x1800  }
0x178: {  	[sflag:s21] =	ssyncset.done $0x0  }
0x179: {  	[sflag:s21] =	ssyncadd.s32 $0xFFFFE800  }
0x17a: {  	_ =	swait.ge [sflag:s21], $0x1800  }
0x17b: {  	[sflag:s21] =	ssyncset.done $0x0  }
0x17c: {  	[sflag:s21] =	ssyncadd.s32 $0xFFFFE800  }
0x17d: {  	_ =	swait.ge [sflag:s21], $0x1800  }
0x17e: {  	[sflag:s21] =	ssyncset.done $0x0  }
0x17f: {  	[sflag:s21] =	ssyncadd.s32 $0xFFFFE800  }
0x180: {  	_ =	swait.ge [sflag:s21], $0x1800  }
0x181: {  	[sflag:s21] =	ssyncset.done $0x0  }
0x182: {  	[sflag:s21] =	ssyncadd.s32 $0xFFFFE800  }
0x183: {  	_ =	swait.ge [sflag:s21], $0x1800  }
0x184: {  	[sflag:s21] =	ssyncset.done $0x0  }
0x185: {  	[sflag:s21] =	ssyncadd.s32 $0xFFFFE800  }
.Ltmp3:
0x186: {  	_ =	swait.ge [sflag:s21], $0x1800;
	(pc) =	sbr.rel @p1 .LBB2_5-.Ltmp3, $4  }
0x187: {  	[sflag:s21] =	ssyncset.done $0x0  }
0x188: {  	[sflag:s21] =	ssyncadd.s32 $0xFFFFE800  }
0x189: {  	s29 =	smov.u32 s25;
	_ =	swait.ge [sflag:s21], $0x1800  }
0x18a: {  	s24 =	sadd.s32 $0x3200, s24;
	s28 =	sshra.s32 s26, $0x2;
	[sflag:s21] =	ssyncset.done $0x0  }
.LBB2_6:
0x18b: {  	s25 =	sadd.s32 $0x4000, s28;
	[sflag:s21] =	ssyncadd.s32 @p0 $0xFFFFE800  }
0x18c: {  	[tilespmem:s12], [sflag:$0x1] =	stream.indirect.gather [hbm4b:s4+s22], $0x40, s25, s22, $0xb8;
	[tilespmem:$0x15000] =	vst v63  }
0x18d: {  	s30 =	sadd.s32 $0x4080, s28  }
0x18e: {  	[tilespmem:s13], [sflag:$0x1] =	stream.indirect.gather [hbm4b:s4+s22], $0x40, s30, s22, $0xb8;
	[tilespmem:$0x15000] =	vst v63  }
0x18f: {  	s31 =	sadd.s32 $0x4100, s28  }
0x190: {  	[tilespmem:s14], [sflag:$0x1] =	stream.indirect.gather [hbm4b:s4+s22], $0x40, s31, s22, $0xb8;
	[tilespmem:$0x15000] =	vst v63  }
0x191: {  	s26 =	sadd.s32 $0x4180, s28  }
0x192: {  	[tilespmem:s15], [sflag:$0x1] =	stream.indirect.gather [hbm4b:s4+s22], $0x40, s26, s22, $0xb8;
	[tilespmem:$0x15000] =	vst v63  }
0x193: {  	s29 =	sadd.s32 $0x4200, s28  }
0x194: {  	[tilespmem:s16], [sflag:$0x1] =	stream.indirect.gather [hbm4b:s4+s22], $0x40, s29, s22, $0xb8;
	[tilespmem:$0x15000] =	vst v63  }
0x195: {  	s30 =	sadd.s32 $0x4280, s28  }
0x196: {  	[tilespmem:s17], [sflag:$0x1] =	stream.indirect.gather [hbm4b:s4+s22], $0x40, s30, s22, $0xb8;
	[tilespmem:$0x15000] =	vst v63  }
0x197: {  	s31 =	sadd.s32 $0x4300, s28  }
0x198: {  	[tilespmem:s18], [sflag:$0x1] =	stream.indirect.gather [hbm4b:s4+s22], $0x40, s31, s22, $0xb8;
	[tilespmem:$0x15000] =	vst v63  }
0x199: {  	s26 =	sadd.s32 $0x4380, s28  }
0x19a: {  	[tilespmem:s19], [sflag:$0x1] =	stream.indirect.gather [hbm4b:s4+s22], $0x40, s26, s22, $0xb8;
	[tilespmem:$0x15000] =	vst v63  }
0x19b: {  	_ =	swait.ge [sflag:s20], $0x1800  }
0x19c: {  	s28 =	rddreg [dreg:$0x11];
	[sflag:s20] =	ssyncset.done $0x0  }
0x19d: {  	[sflag:s20] =	ssyncadd.s32 $0xFFFFE800;
	s25 =	sadd.s32 s24, s28  }
0x19e: {  	[hbm4b:s25+s3] =	stream.linear.scatter [tilespmem:s12], [sflag:$0x2], $0x1800, $0x38;
	[tilespmem:$0x15000] =	vst v63  }
0x19f: {  	_ =	swait.ge [sflag:s20], $0x1800  }
0x1a0: {  	s29 =	rddreg [dreg:$0x10];
	[sflag:s20] =	ssyncset.done $0x0  }
0x1a1: {  	[sflag:s20] =	ssyncadd.s32 $0xFFFFE800;
	s25 =	sadd.s32 s24, s29  }
0x1a2: {  	[hbm4b:s25+s3] =	stream.linear.scatter [tilespmem:s13], [sflag:$0x2], $0x1800, $0x38;
	[tilespmem:$0x15000] =	vst v63  }
0x1a3: {  	_ =	swait.ge [sflag:s20], $0x1800  }
0x1a4: {  	s30 =	rddreg [dreg:$0xf];
	[sflag:s20] =	ssyncset.done $0x0  }
0x1a5: {  	[sflag:s20] =	ssyncadd.s32 $0xFFFFE800;
	s25 =	sadd.s32 s24, s30  }
0x1a6: {  	[hbm4b:s25+s3] =	stream.linear.scatter [tilespmem:s14], [sflag:$0x2], $0x1800, $0x38;
	[tilespmem:$0x15000] =	vst v63  }
0x1a7: {  	_ =	swait.ge [sflag:s20], $0x1800  }
0x1a8: {  	s31 =	rddreg [dreg:$0xe];
	[sflag:s20] =	ssyncset.done $0x0  }
0x1a9: {  	[sflag:s20] =	ssyncadd.s32 $0xFFFFE800;
	s25 =	sadd.s32 s24, s31  }
0x1aa: {  	[hbm4b:s25+s3] =	stream.linear.scatter [tilespmem:s15], [sflag:$0x2], $0x1800, $0x38;
	[tilespmem:$0x15000] =	vst v63  }
0x1ab: {  	_ =	swait.ge [sflag:s20], $0x1800  }
0x1ac: {  	s26 =	rddreg [dreg:$0xd];
	[sflag:s20] =	ssyncset.done $0x0  }
0x1ad: {  	[sflag:s20] =	ssyncadd.s32 $0xFFFFE800;
	s25 =	sadd.s32 s24, s26  }
0x1ae: {  	[hbm4b:s25+s3] =	stream.linear.scatter [tilespmem:s16], [sflag:$0x2], $0x1800, $0x38;
	[tilespmem:$0x15000] =	vst v63  }
0x1af: {  	_ =	swait.ge [sflag:s20], $0x1800  }
0x1b0: {  	s28 =	rddreg [dreg:$0xc];
	[sflag:s20] =	ssyncset.done $0x0  }
0x1b1: {  	[sflag:s20] =	ssyncadd.s32 $0xFFFFE800;
	s25 =	sadd.s32 s24, s28  }
0x1b2: {  	[hbm4b:s25+s3] =	stream.linear.scatter [tilespmem:s17], [sflag:$0x2], $0x1800, $0x38;
	[tilespmem:$0x15000] =	vst v63  }
0x1b3: {  	_ =	swait.ge [sflag:s20], $0x1800  }
0x1b4: {  	s29 =	rddreg [dreg:$0xb];
	[sflag:s20] =	ssyncset.done $0x0  }
0x1b5: {  	[sflag:s20] =	ssyncadd.s32 $0xFFFFE800;
	s25 =	sadd.s32 s24, s29  }
0x1b6: {  	[hbm4b:s25+s3] =	stream.linear.scatter [tilespmem:s18], [sflag:$0x2], $0x1800, $0x38;
	[tilespmem:$0x15000] =	vst v63  }
0x1b7: {  	_ =	swait.ge [sflag:s20], $0x1800  }
0x1b8: {  	s30 =	rddreg [dreg:$0xa];
	[sflag:s20] =	ssyncset.done $0x0  }
0x1b9: {  	[sflag:s20] =	ssyncadd.s32 $0xFFFFE800;
	s31 =	sadd.s32 s24, s30  }
0x1ba: {  	[hbm4b:s31+s3] =	stream.linear.scatter [tilespmem:s19], [sflag:$0x2], $0x1800, $0x38;
	[tilespmem:$0x15000] =	vst v63  }
0x1bb: {  	_ =	swait.ge [sflag:s21], $0x1800  }
0x1bc: {  	[sflag:s21] =	ssyncset.done $0x0  }
0x1bd: {  	[sflag:s21] =	ssyncadd.s32 $0xFFFFE800  }
0x1be: {  	_ =	swait.ge [sflag:s21], $0x1800  }
0x1bf: {  	[sflag:s21] =	ssyncset.done $0x0  }
0x1c0: {  	[sflag:s21] =	ssyncadd.s32 $0xFFFFE800  }
0x1c1: {  	_ =	swait.ge [sflag:s21], $0x1800  }
0x1c2: {  	[sflag:s21] =	ssyncset.done $0x0  }
0x1c3: {  	[sflag:s21] =	ssyncadd.s32 $0xFFFFE800  }
0x1c4: {  	_ =	swait.ge [sflag:s21], $0x1800  }
0x1c5: {  	[sflag:s21] =	ssyncset.done $0x0  }
0x1c6: {  	[sflag:s21] =	ssyncadd.s32 $0xFFFFE800  }
0x1c7: {  	_ =	swait.ge [sflag:s21], $0x1800  }
0x1c8: {  	[sflag:s21] =	ssyncset.done $0x0  }
0x1c9: {  	[sflag:s21] =	ssyncadd.s32 $0xFFFFE800  }
0x1ca: {  	_ =	swait.ge [sflag:s21], $0x1800  }
0x1cb: {  	[sflag:s21] =	ssyncset.done $0x0  }
0x1cc: {  	s23 =	sadd.s32 $0x1, s23;
	[sflag:s21] =	ssyncadd.s32 $0xFFFFE800  }
0x1cd: {  	p0 =	sne.s32 s23, s7;
	_ =	swait.ge [sflag:s21], $0x1800  }
.Ltmp4:
0x1ce: {  	[sflag:s21] =	ssyncset.done $0x0;
	(pc) =	sbr.rel @p0 .LBB2_1-.Ltmp4, $4  }
0x1cf: {  	[sflag:s21] =	ssyncadd.s32 $0xFFFFE800  }
0x1d0: {  	_ =	swait.ge [sflag:s21], $0x1800  }
0x1d1: {  	[sflag:s21] =	ssyncset.done $0x0  }
0x1d2: {  	[sflag:s21] =	ssyncadd.s32 $0xFFFFE800  }
0x1d3: {  	_ =	sfence.sel $0x180000  }
0x1d4: {  	[bflag:$0x0] =	sbarrier.arrive $0xFFFF  }
0x1d5: {  	p0 =	sne.s32 s1, $0x0;
	_ =	strace $0x90000047  }
0x1d6: {  	s0 =	sadd.s32 @!p0 $0x100000, s0;
	[bflag:$0x2] =	sbarrier.arrive $0xFFFF  }
0x1d7: {  	[sflag:s0] =	ssyncadd.tile.s32 @!p0 $0x1;
	_ =	shalt  }
.Lfunc_end2:
_tile_overlayer_lowered:
.L_overlay_start_2:
0x1d8: {  	(tag) =	ssettag $0x2  }
0x1d9: {  	s0 =	rddreg [dreg:$0x0];
	s2 =	stileid.u32  }
0x1da: {  	s1 =	rddreg [dreg:$0x1];
	p0 =	sne.s32 s2, $0x0  }
0x1db: {  	s3 =	rddreg [dreg:$0x2];
	[bflag:$0x3] =	sbarrier.arrive $0xFFFF;
	s2 =	simm.s32 @!p0 $0x1C03  }
0x1dc: {  	[timem:s3], [sflag:s2] =	dma.local @!p0 [hbm:s0], s1  }
0x1dd: {  	s0 =	simm.s32 @!p0 $0x3  }
0x1de: {  	_ =	swait.ge @!p0 [sflag:s0], s1  }
0x1df: {  	s1 =	ssub.s32 @!p0 $0x0, s1;
	[sflag:s0] =	ssyncset.done @!p0 $0x0  }
0x1e0: {  	[sflag:s0] =	ssyncadd.s32 @!p0 s1  }
0x1e1: {  	[bflag:$0x3] =	sbarrier.arrive $0xFFFF  }
0x1e2: {  	_ =	shalt  }

// kernel: sparse-core-data-format-call.cloned.1.call-start
scs
called_computation_lowered:
.L_overlay_start_0:
0x0: {  	s2 =	sld [smem:$0x3FD9]  }
0x1: {  	s3 =	sld [smem:$0x3FFE];
	_ =	sdelay $0x1  }
0x2: {  	s1 =	srdreg.scid  }
0x3: {  	s0 =	sand.u32 $0x1, s1  }
0x4: {  	s18 =	sshll.u32 s0, $0xA;
	s2 =	sadd.s32 s3, s2  }
0x5: {  	s2 =	sadd.s32 s2, s18  }
0x6: {  	[smem:$0x3FC6] =	sst s2  }
0x7: {  	_ = 	snop  }
0x8: {  	s2 =	sld [smem:$0x3FD0];
	(tm) =	ssettm $0x1  }
0x9: {  	s19 =	sld [smem:$0x3FFB];
	_ =	sdelay $0x3  }
0xa: {  	_ =	strace s19  }
0xb: {  	s3 =	sld [smem:$0x3FFC];
	_ =	sdelay $0x3  }
0xc: {  	_ =	strace s3  }
0xd: {  	s3 =	sld [smem:$0x3FFD];
	_ =	sdelay $0x3  }
0xe: {  	_ =	strace s3  }
0xf: {  	_ =	strace $0x8FFFFFFF  }
0x10: {  	s20 =	sld [smem:$0x3FDB];
	_ =	sdelay $0x1  }
0x11: {  	s4 =	simm.s32 $_scs_section_size  }
0x12: {  	s5 =	simm.s32 $_size__tile_overlayer_lowered;
	s6 =	simm.s32 $_tile_overlayer_lowered  }
0x13: {  	s23 =	simm.s32 $0x1BFF;
	s22 =	sshll.u32 s6, $0x1;
	s3 =	sadd.s32 s4, s20  }
0x14: {  	s7 =	simm.s32 $0x0;
	s21 =	sshll.u32 s5, $0x1;
	s5 =	sadd.s32 s22, s3  }
0x15: {  	[timem:s7], [sflag:s23] =	dma.local [hbm:s5], s21  }
0x16: {  	_ =	swait.ge [sflag:s23], s21  }
0x17: {  	s4 =	ssub.s32 $0x0, s21;
	[sflag:s23] =	ssyncset.done $0x0  }
0x18: {  	[sflag:s23] =	ssyncadd.s32 s4;
	_ =	sdelay $0x1  }
0x19: {  	s24 =	simm.s32 $0x1B8B  }
0x1a: {  	_ =	swait.ge [sflag:s24], $0x1  }
0x1b: {  	[sflag:s24] =	ssyncset.done $0x0  }
0x1c: {  	s26 =	simm.s32 $0x1B8E;
	s25 =	sld [smem:$0x3FFE];
	[sflag:s24] =	ssyncadd.s32 $0xFFFFFFFF  }
0x1d: {  	s27 =	simm.s32 $execute0_lowered;
	[smem:$0x3FD2] =	sst s26  }
0x1e: {  	s5 =	sshll.u32 s27, $0x1;
	_ =	strace $0x80000049;
	[dreg:$0x1] =	wrdreg $0xFFFFFFFF  }
0x1f: {  	s28 =	simm.s32 $_size_execute0_lowered;
	s3 =	sadd.s32 s3, s5;
	[dreg:$0x0] =	wrdreg $0x0  }
0x20: {  	s5 =	sshll.u32 s28, $0x1;
	[dreg:$0x2] =	wrdreg s3  }
0x21: {  	[dreg:$0x3] =	wrdreg s5  }
0x22: {  	[dreg:$0x4] =	wrdreg $0xC0  }
0x23: {  	_ =	task [dreg:s7], $0x5FFFF  }
0x24: {  	[dreg:$0x1] =	wrdreg $0xFFFFFFFF  }
0x25: {  	[dreg:$0x0] =	wrdreg $0x60  }
0x26: {  	[dreg:$0x2] =	wrdreg s25  }
0x27: {  	[dreg:$0x3] =	wrdreg s2  }
0x28: {  	[dreg:$0x4] =	wrdreg $0x9  }
0x29: {  	_ =	task.clear_ibuf [dreg:s7], $0x5FFFF;
	_ =	strace $0x90000049  }
0x2a: {  	s29 =	simm.s32 $0x9;
	_ =	strace $0x8000004B  }
0x2b: {  	_ =	swait.ge [sflag:s29], $0x1  }
0x2c: {  	[sflag:s29] =	ssyncadd.s32 $0xFFFFFFFF  }
0x2d: {  	_ =	strace $0x9000004B  }
0x2e: {  	_ =	sfence  }
0x2f: {  	s30 =	sld [smem:$0x0];
	_ =	sdelay $0x2  }
0x30: {  	s31 =	sshll.u32 s1, $0xD;
	s1 =	sshrl.u32 s1, $0x2  }
0x31: {  	s3 =	sand.u32 $0x4000, s31;
	s1 =	sadd.s32 s1, s30  }
0x32: {  	s0 =	sor.u32 s3, s0;
	s1 =	sshll.u32 s1, $0x11  }
0x33: {  	s0 =	sor.u32 s1, s0  }
0x34: {  	s0 =	sadd.s32 $0x8F2B, s0  }
0x35: {  	[sflag:s0] =	ssyncadd.remote.s32 $0x1  }
0x36: {  	_ =	sfence.sel $0xFFFF  }
0x37: {  	[dreg:$0x0] =	wrdreg $0xFFFFFFFF;
	(pc) =	sbr.abs _section_cstart, $3  }
0x38: {  	[dreg:$0x1] =	wrdreg $0xFFFFFFFF  }
0x39: {  	_ =	task.clear_ibuf [dreg:s7], $0x2FFFF;
	_ =	strace $0x9FFFFFFF  }
0x3a: {  	(tm) =	ssettm $0x7FFFFFFF  }
0x3b: {  	_ =	shalt  }
tec
execute0_lowered:
.L_overlay_start_1:
0x0: {  	(tag) =	ssettag $0x1  }
0x1: {  	s0 =	srdreg.scid  }
0x2: {  	s1 =	sshll.u32 s0, $0x4  }
0x3: {  	s0 =	stileid.u32;
	s1 =	sand.u32 $0x10, s1  }
0x4: {  	s1 =	sor.u32 s0, s1  }
0x5: {  	s6 =	rddreg [dreg:$0x0];
	s4 =	simm.s32 $0x1;
	s2 =	sshll.u32 s1, $0x7  }
0x6: {  	s7 =	simm.s32 $0x2;
	s12 =	simm.s32 $0x0;
	s1 =	ssub.s32 $0x1000, s2  }
0x7: {  	s8 =	simm.s32 $0x8000;
	s13 =	simm.s32 $0x0;
	s3 =	sand.u32 $0xF80, s1  }
0x8: {  	s9 =	simm.s32 $0x0;
	s5 =	sshrl.u32 s1, $0xC;
	p0 =	sne.s32 s3, $0x0  }
.Ltmp0:
0x9: {  	s1 =	rddreg [dreg:$0x2];
	s4 =	simm.s32 @!p0 $0x0;
	(pc) =	sbr.rel .LBB1_1-.Ltmp0, $4  }
0xa: {  	s11 =	simm.s32 $0x0;
	s3 =	rddreg [dreg:$0x1];
	s5 =	sadd.s32 s4, s5  }
0xb: {  	_ =	strace $0x8000004A;
	s4 =	simm.s32 $0x1;
	s5 =	smul.u32 $0xC8, s5  }
0xc: {  	s6 =	sadd.s32 $0xA00, s6;
	s10 =	smov.u32 s2;
	[sflag:s4] =	ssyncpa.u1 $0x0  }
0xd: {  	p0 =	por $0x0, $0x0;
	[sflag:s7] =	ssyncpa.u1 $0x0;
	s7 =	sor.u32 $0x1, s5  }
.LBB1_4:
0xe: {  	s16 =	sshll.u32 s13, $0x3;
	s17 =	sand.u32 $0x78, s13  }
0xf: {  	s30 =	sand.u32 $0x7E00, s13;
	s12 =	sshll.u32 s12, $0xF;
	s16 =	sand.u32 $0xC00, s16  }
0x10: {  	[tilespmem:s15+$0x810 ss:$0x81] =	vst.msk $0xffff, v2;
	s31 =	sand.u32 $0x7, s13;
	s16 =	sor.u32 s17, s16;
	s17 =	sadd.s32 s3, s30  }
0x11: {  	[tilespmem:s15+$0x1020 ss:$0x81] =	vst.msk $0xffff, v0;
	s13 =	sshll.u32 s31, $0x12;
	s12 =	sadd.s32 s12, s17;
	s16 =	sshrl.u32 s16, $0x3  }
0x12: {  	[tilespmem:s15+$0x0 ss:$0x81] =	vst.msk $0xffff, v1;
	s13 =	sor.u32 $0x400, s13;
	s12 =	sadd.s32 s16, s12  }
0x13: {  	[hbm4b:s12+s13] =	stream.strided.scatter [tilespmem:s14], [sflag:$0x2], $0x2000, s8, s13, $0x20;
	[tilespmem:$0x8080] =	vst v63  }
.LBB1_5:
0x14: {  	s14 =	sadd.s32 $0x1, s9  }
0x15: {  	s12 =	sadd.s32 $0x1000, s10;
	s16 =	smov.u32 s10;
	p2 =	sgt.s32 s14, $0xC7  }
0x16: {  	s16 =	smov.u32 @p2 s12  }
0x17: {  	s14 =	simm.s32 @p2 $0x0;
	p2 =	sgt.s32 s16, $0xFFF  }
0x18: {  	s16 =	smov.u32 @p2 s2;
	p2 =	sne.s32 s11, s7  }
.Ltmp1:
0x19: {  	p1 =	slt.u32 s11, $0x2;
	(pc) =	sbr.rel @!p2 .LBB1_6-.Ltmp1, $4  }
0x1a: {  	s15 =	simm.s32 @!p1 $0x2  }
0x1b: {  	s13 =	smov.u32 s10;
	p0 =	por !p0, !p0;
	_ =	swait.ge @!p1 [sflag:s15], $0x2000  }
0x1c: {  	s12 =	smov.u32 s9;
	[sflag:s15] =	ssyncset.done @!p1 $0x0;
	s9 =	smov.u32 s14  }
0x1d: {  	s11 =	sadd.s32 $0x1, s11;
	[sflag:s15] =	ssyncadd.s32 @!p1 $0xFFFFE000;
	s10 =	smov.u32 s16  }
.LBB1_1:
0x1e: {  	p1 =	sge.u32 s11, s5  }
0x1f: {  	s14 =	sand.u32 @!p1 $0x1FFFFFF, s9  }
0x20: {  	s15 =	smulhi.u32 @!p1 $0x147AE15, s14;
	_ =	sdelay $0x1  }
0x21: {  	s15 =	smul.u32 @!p1 $0xC8, s15  }
0x22: {  	s16 =	sxor.u32 @!p1 $0xFFFFFFFF, s11;
	s17 =	smul.u32 @!p1 $0xC80, s10  }
0x23: {  	s31 =	sadd.s32 $0xFFFFFFFF, s11;
	s16 =	sshll.u32 @!p1 s16, $0xD;
	s14 =	ssub.s32 @!p1 s14, s15  }
0x24: {  	s15 =	sand.u32 @!p1 $0x2000, s16;
	s16 =	sadd.s32 @!p1 s6, s17;
	s14 =	sshll.u32 @!p1 s14, $0x4  }
0x25: {  	s17 =	simm.s32 @!p1 $0x6400;
	s14 =	sadd.s32 @!p1 s14, s16;
	s16 =	simm.s32 @!p1 $0x40  }
0x26: {  	[tilespmem:s15], [sflag:$0x1] =	stream.strided.gather @!p1 [hbm4b:s14+s16], $0x2000, s17, s16, $0x38;
	[tilespmem:$0x8080] =	vst v63  }
0x27: {  	p1 =	sge.u32 s31, s5  }
.Ltmp2:
0x28: {  	_ = 	snop;
	(pc) =	sbr.rel @p1 .LBB1_5-.Ltmp2, $1  }
0x29: {  	_ =	sdelay $0x3  }
0x2a: {  	s14 =	simm.s32 $0x1  }
0x2b: {  	_ =	swait.ge [sflag:s4], $0x2000;
	s14 =	simm.s32 @!p0 $0x0  }
0x2c: {  	[sflag:s4] =	ssyncset.done $0x0;
	s15 =	sshll.u32 s14, $0xD  }
0x2d: {  	[sflag:s4] =	ssyncadd.s32 $0xFFFFE000;
	s18 =	sor.u32 $0x20, s15  }
0x2e: {  	s14 =	smul.u32 $0x8100, s14;
	v3 =	vld [tilespmem:s18+$0x10]  }
0x2f: {  	s30 =	sand.u32 $0x1, s11;
	v2 =	vld [tilespmem:s18+$0xFFFFFFF0]  }
0x30: {  	s15 =	smul.u32 $0x8100, s30;
	s14 =	sshrl.u32 s14, $0x2;
	v0 =	vld [tilespmem:s18+$0x0]  }
0x31: {  	v1 =	vld [tilespmem:s18+$0xFFFFFFE0];
	s16 =	sor.u32 $0x4000, s14  }
0x32: {  	s31 =	sshrl.u32 s15, $0x2;
	s15 =	sadd.s32 $0x0, s16  }
0x33: {  	s17 =	simm.s32 $0x4;
	s18 =	sadd.s32 $0x40, s18;
	s14 =	sor.u32 $0x4000, s31;
	[tilespmem:s15+$0x1830 ss:$0x81] =	vst.msk $0xffff, v3  }
.LBB1_3:
0x34: {  	v3 =	vld [tilespmem:s18+$0x10];
	p1 =	sne.s32 s17, $0x1FC;
	[tilespmem:s15+$0x810 ss:$0x81] =	vst.msk $0xffff, v2;
	s19 =	smov.u32 s17;
	s17 =	sadd.s32 $0x4, s17  }
.Ltmp3:
0x35: {  	v2 =	vld [tilespmem:s18+$0xFFFFFFF0];
	[tilespmem:s15+$0x1020 ss:$0x81] =	vst.msk $0xffff, v0;
	(pc) =	sbr.rel @p1 .LBB1_3-.Ltmp3, $4  }
0x36: {  	v0 =	vld [tilespmem:s18+$0x0];
	[tilespmem:s15+$0x0 ss:$0x81] =	vst.msk $0xffff, v1  }
0x37: {  	s15 =	sshra.s32 s19, $0x2;
	v1 =	vld [tilespmem:s18+$0xFFFFFFE0]  }
0x38: {  	s15 =	sadd.s32 s15, s16  }
0x39: {  	s18 =	sadd.s32 $0x40, s18;
	[tilespmem:s15+$0x1830 ss:$0x81] =	vst.msk $0xffff, v3  }
.Ltmp4:
0x3a: {  	_ = 	snop;
	(pc) =	sbr.rel .LBB1_4-.Ltmp4, $1  }
0x3b: {  	_ =	sdelay $0x3  }
.LBB1_6:
0x3c: {  	_ =	sfence.sel $0x180000  }
0x3d: {  	s2 =	simm.s32 $0x1;
	[bflag:$0x0] =	sbarrier.arrive $0xFFFF  }
0x3e: {  	s31 =	simm.s32 $0x2;
	[sflag:s2] =	ssyncpa.u1 $0x1  }
0x3f: {  	[sflag:s31] =	ssyncpa.u1 $0x1  }
0x40: {  	p0 =	sne.s32 s0, $0x0;
	_ =	strace $0x9000004A  }
0x41: {  	s0 =	sadd.s32 @!p0 $0x100000, s1;
	[bflag:$0x2] =	sbarrier.arrive $0xFFFF  }
0x42: {  	[sflag:s0] =	ssyncadd.tile.s32 @!p0 $0x1;
	_ =	shalt  }
.Lfunc_end1:
_tile_overlayer_lowered:
.L_overlay_start_2:
0x43: {  	(tag) =	ssettag $0x2  }
0x44: {  	s0 =	rddreg [dreg:$0x0];
	s2 =	stileid.u32  }
0x45: {  	s1 =	rddreg [dreg:$0x1];
	p0 =	sne.s32 s2, $0x0  }
0x46: {  	s3 =	rddreg [dreg:$0x2];
	[bflag:$0x3] =	sbarrier.arrive $0xFFFF;
	s2 =	simm.s32 @!p0 $0x1C01  }
0x47: {  	[timem:s3], [sflag:s2] =	dma.local @!p0 [hbm:s0], s1  }
0x48: {  	s0 =	simm.s32 @!p0 $0x1  }
0x49: {  	_ =	swait.ge @!p0 [sflag:s0], s1  }
0x4a: {  	s1 =	ssub.s32 @!p0 $0x0, s1;
	[sflag:s0] =	ssyncset.done @!p0 $0x0  }
0x4b: {  	[sflag:s0] =	ssyncadd.s32 @!p0 s1  }
0x4c: {  	[bflag:$0x3] =	sbarrier.arrive $0xFFFF  }
0x4d: {  	_ =	shalt  }

</sc_bundles>
